<compile_context>
chip_gen: v7x
topology: tpu7x:2x2x1
jax: 0.10.2.dev20260603
libtpu: 0.0.44.dev20260713+nightly
codegen_flags: <defaults>
</compile_context>

<pallas_src>
import functools

import jax
import jax.numpy as jnp
from jax import lax
from jax.experimental import pallas as pl
from jax.experimental.pallas import tpu as pltpu
from jax.experimental.pallas import tpu_sc as plsc

B = 4096
T = 125
NT = 100000
EMB = 64
ROWS = 127
TP = 128
D_OUT = ROWS * EMB
NW = 32
B_PER_W = B // NW
STEP = 8
NSTEP = B_PER_W // STEP


def _dense_block(tw_ref, w_ref, b_ref, o_ref):
    o_ref[...] = (
        jnp.dot(tw_ref[...], w_ref[...], preferred_element_type=jnp.float32)
        + b_ref[...]
    )


def _compact_block(x_ref, o_ref):
    lane = lax.broadcasted_iota(jnp.int32, (8, 128), 1)
    msk = lane < EMB
    for j in range(63):
        a = x_ref[:, 2 * j, :]
        b = x_ref[:, 2 * j + 1, :]
        o_ref[:, 128 * j : 128 * (j + 1)] = jnp.where(
            msk, a, pltpu.roll(b, EMB, 1)
        )
    o_ref[:, 8064:8128] = x_ref[:, 126, :EMB]


def _tc_compact(x):
    n = x.shape[0]
    return pl.pallas_call(
        _compact_block,
        grid=(n // 8,),
        in_specs=[pl.BlockSpec((8, TP, 128), lambda i: (i, 0, 0))],
        out_specs=pl.BlockSpec((8, D_OUT), lambda i: (i, 0)),
        out_shape=jax.ShapeDtypeStruct((n, D_OUT), jnp.float32),
    )(x)


def _task_dense(task_w, dense_w, dense_b):
    return pl.pallas_call(
        _dense_block,
        grid=(B // 256,),
        in_specs=[
            pl.BlockSpec((256, 16), lambda i: (i, 0)),
            pl.BlockSpec((16, 128), lambda i: (0, 0)),
            pl.BlockSpec((1, 128), lambda i: (0, 0)),
        ],
        out_specs=pl.BlockSpec((256, 128), lambda i: (i, 0)),
        out_shape=jax.ShapeDtypeStruct((B, 128), jnp.float32),
    )(task_w, dense_w, dense_b.reshape(1, 128))


def _sc_gather(idx, table):
    info = plsc.get_sparse_core_info()
    nc = info.num_cores
    mesh = plsc.VectorSubcoreMesh(core_axis_name="c", subcore_axis_name="s")

    @functools.partial(
        pl.kernel,
        mesh=mesh,
        out_type=jax.ShapeDtypeStruct((B, TP, 128), jnp.float32),
        scratch_types=[
            pltpu.VMEM((B_PER_W, TP), jnp.int32),
            pltpu.VMEM((TP, 128), jnp.float32),
            pltpu.VMEM((TP, 128), jnp.float32),
            pltpu.VMEM((TP, 128), jnp.float32),
            pltpu.VMEM((TP, 128), jnp.float32),
            pltpu.SemaphoreType.DMA,
            pltpu.SemaphoreType.DMA,
            pltpu.SemaphoreType.DMA,
            pltpu.SemaphoreType.DMA,
            pltpu.SemaphoreType.DMA,
            pltpu.SemaphoreType.DMA,
            pltpu.SemaphoreType.DMA,
            pltpu.SemaphoreType.DMA,
        ],
    )
    def k(idx_hbm, table_hbm, out_hbm, idx_v, bf0, bf1, bf2, bf3,
          sg0, sg1, sg2, sg3, ss0, ss1, ss2, ss3):
        wid = lax.axis_index("s") * nc + lax.axis_index("c")
        b0 = wid * B_PER_W
        bufs = (bf0, bf1, bf2, bf3)
        sg = (sg0, sg1, sg2, sg3)
        ss = (ss0, ss1, ss2, ss3)
        pltpu.sync_copy(idx_hbm.at[pl.ds(b0, B_PER_W), :], idx_v)

        def gat(i, p):
            pltpu.async_copy(table_hbm.at[idx_v.at[i]], bufs[p], sg[p])

        def wait_gat(p):
            pltpu.make_async_copy(
                table_hbm.at[idx_v.at[0]], bufs[p], sg[p]
            ).wait()

        def sto(i, p):
            pltpu.async_copy(bufs[p], out_hbm.at[b0 + i], ss[p])

        def wait_sto(p):
            pltpu.make_async_copy(bufs[p], out_hbm.at[b0], ss[p]).wait()

        gat(0, 0)
        gat(1, 1)
        gat(2, 2)
        for q in range(STEP):
            wait_gat(q % 4)
            sto(q, q % 4)
            if q >= 1:
                wait_sto((q + 3) % 4)
            gat(q + 3, (q + 3) % 4)

        def per_step(s, carry):
            i0 = s * STEP
            for q in range(STEP):
                wait_gat(q % 4)
                sto(i0 + q, q % 4)
                wait_sto((q + 3) % 4)
                gat(i0 + q + 3, (q + 3) % 4)
            return carry

        lax.fori_loop(1, NSTEP - 1, per_step, 0)

        i0 = B_PER_W - STEP
        for q in range(STEP):
            wait_gat(q % 4)
            sto(i0 + q, q % 4)
            if q < STEP - 3:
                wait_sto((q + 3) % 4)
                gat(i0 + q + 3, (q + 3) % 4)
        for p in range(4):
            wait_sto(p)

    return k(idx, table)


def kernel(image, position, direction, prev_action, task_w, embed_table, dense_w, dense_b):
    flat = jnp.concatenate(
        (
            image.reshape(image.shape[0], -1),
            position,
            direction[:, None],
            prev_action[:, None],
        ),
        axis=-1,
    ).astype(jnp.int32)
    task_ids = NT + 2 * jnp.arange(B, dtype=jnp.int32)[:, None] + jnp.arange(
        2, dtype=jnp.int32
    )[None, :]
    idx = jnp.concatenate((flat, task_ids, flat[:, :1]), axis=-1)
    tw = _task_dense(task_w.astype(jnp.float32), dense_w, dense_b)
    table_cat = jnp.concatenate(
        (embed_table, tw.reshape(2 * B, EMB)), axis=0
    )
    tblp = jnp.pad(table_cat, ((0, 0), (0, 128 - EMB)))
    out3 = _sc_gather(idx, tblp)
    return out3[:, :ROWS, :EMB].reshape(B, D_OUT)

# --- scband reference (transcript-rebuilt; emitter-appended) ---
"""Pipeline reference for scband-categorical-houzemaze-obs-encoder-22436909154997 (READ-ONLY COPY).

The authoritative reference and input builder live on the scoring server;
editing this copy changes nothing except your own understanding.
"""

import jax, jax.numpy as jnp
import numpy as np

B = 4096
H = 11
W = 11
NUM_CAT = 100000
EMB = 64
TASK_DIM = 16
TASK_OUT = 128


def setup_inputs(seed: int = 0) -> dict:
    key = jax.random.key(seed)
    ks = jax.random.split(key, 8)
    image = jax.random.randint(ks[0], (B, H, W), 0, NUM_CAT)
    position = jax.random.randint(ks[1], (B, 2), 0, 11)
    direction = jax.random.randint(ks[2], (B,), 0, 4)
    prev_action = jax.random.randint(ks[3], (B,), 0, 10)
    task_w = jax.random.normal(ks[4], (B, TASK_DIM), dtype=jnp.float32)
    # learned params: nn.Embed table + task Dense(128) (variance_scaling fan_in)
    embed_table = jax.random.normal(ks[5], (NUM_CAT, EMB), dtype=jnp.float32) * 0.02
    dense_w = jax.random.normal(ks[6], (TASK_DIM, TASK_OUT), dtype=jnp.float32) * (1.0 / np.sqrt(TASK_DIM))
    dense_b = jnp.zeros((TASK_OUT,), dtype=jnp.float32)
    return {
        "image": image,
        "position": position,
        "direction": direction,
        "prev_action": prev_action,
        "task_w": task_w,
        "embed_table": embed_table,
        "dense_w": dense_w,
        "dense_b": dense_b,
    }


def reference(image, position, direction, prev_action, task_w, embed_table, dense_w, dense_b):
    # has_batch path: image is [B, H, W]
    flatten = lambda x: x.reshape(x.shape[0], -1)
    expand = lambda x: x[:, None]
    # norm_type == 'none' -> norm is identity; num_embed_layers == 0 and
    # num_mlp_layers == 0 -> both MLPs are identity.
    all_flattened = jnp.concatenate(
        (flatten(image), position, expand(direction), expand(prev_action)), axis=-1
    ).astype(jnp.int32)
    # nn.Embed lookup -> [B, T, EMB]
    embedding = jnp.take(embed_table, all_flattened, axis=0)
    embedding = flatten(embedding)  # [B, T*EMB]
    # include_task: Dense(128) on task_w
    tw = task_w.astype(jnp.float32) @ dense_w + dense_b  # [B, 128]
    outputs = jnp.concatenate((embedding, tw), axis=-1)
    return outputs

if __name__ == "__main__":
    import jax
    _d = setup_inputs()
    print(jax.jit(kernel)(*tuple(_d.values())))

</pallas_src>

<mosaic_0001>
#map = affine_map<(d0, d1) -> (0, 0)>
#map1 = affine_map<(d0, d1) -> (0, 0, 0)>
module attributes {stable_mosaic.version = 14 : i64} {
  func.func @k(%arg0: i32, %arg1: i32, %arg2: memref<4096x128xi32, #tpu.memory_space<hbm>>, %arg3: memref<108192x128xf32, #tpu.memory_space<hbm>>, %arg4: memref<4096x128x128xf32, #tpu.memory_space<hbm>>, %arg5: memref<128x128xi32, #tpu.memory_space<vmem>>, %arg6: memref<128x128xf32, #tpu.memory_space<vmem>>, %arg7: memref<128x128xf32, #tpu.memory_space<vmem>>, %arg8: memref<128x128xf32, #tpu.memory_space<vmem>>, %arg9: memref<128x128xf32, #tpu.memory_space<vmem>>, %arg10: memref<!tpu.dma_semaphore, #tpu.memory_space<semaphore_mem>>, %arg11: memref<!tpu.dma_semaphore, #tpu.memory_space<semaphore_mem>>, %arg12: memref<!tpu.dma_semaphore, #tpu.memory_space<semaphore_mem>>, %arg13: memref<!tpu.dma_semaphore, #tpu.memory_space<semaphore_mem>>, %arg14: memref<!tpu.dma_semaphore, #tpu.memory_space<semaphore_mem>>, %arg15: memref<!tpu.dma_semaphore, #tpu.memory_space<semaphore_mem>>, %arg16: memref<!tpu.dma_semaphore, #tpu.memory_space<semaphore_mem>>, %arg17: memref<!tpu.dma_semaphore, #tpu.memory_space<semaphore_mem>>) attributes {dimension_semantics = [#tpu.dimension_semantics<core_parallel>, #tpu.dimension_semantics<subcore_parallel>], iteration_bounds = array<i64: 2, 16>, scalar_prefetch = 0 : i64, scratch_operands = 13 : i64, tpu.core_type = #tpu.core_type<sc_vector_subcore>, window_params = [{transform_indices = #map}, {transform_indices = #map}, {transform_indices = #map1}]} {
    %mul3A = arith.constant 2 : i32
    %mul3A_0 = arith.muli %arg1, %mul3A : i32
    %add3A = arith.addi %mul3A_0, %arg0 : i32
    %mul3A_1 = arith.constant 128 : i32
    %mul3A_2 = arith.muli %add3A, %mul3A_1 : i32
    "tpu.region"() ({
      %run_scoped3A = tpu.sem_alloc : memref<!tpu.dma_semaphore, #tpu.memory_space<semaphore_mem>>
      %dma_start3A_518 = arith.constant 0 : i32
      %dma_start3A_519 = tpu.memref_slice %arg2[%mul3A_2, %dma_start3A_518] : memref<4096x128xi32, #tpu.memory_space<hbm>> -> memref<128x128xi32, #tpu.memory_space<hbm>>
      %dma_start3A_520 = arith.constant 0 : i32
      %dma_start3A_521 = tpu.memref_slice %arg2[%mul3A_2, %dma_start3A_520] : memref<4096x128xi32, #tpu.memory_space<hbm>> -> memref<128x128xi32, #tpu.memory_space<hbm>>
      tpu.enqueue_dma source(%dma_start3A_521 : memref<128x128xi32, #tpu.memory_space<hbm>>) target(%arg5 : memref<128x128xi32, #tpu.memory_space<vmem>>) target_semaphore(%run_scoped3A : memref<!tpu.dma_semaphore, #tpu.memory_space<semaphore_mem>>)
      %dma_wait3A_522 = arith.constant 0 : i32
      %dma_wait3A_523 = tpu.memref_slice %arg2[%mul3A_2, %dma_wait3A_522] : memref<4096x128xi32, #tpu.memory_space<hbm>> -> memref<128x128xi32, #tpu.memory_space<hbm>>
      %dma_wait3A_524 = arith.constant 0 : i32
      %dma_wait3A_525 = tpu.memref_slice %arg2[%mul3A_2, %dma_wait3A_524] : memref<4096x128xi32, #tpu.memory_space<hbm>> -> memref<128x128xi32, #tpu.memory_space<hbm>>
      tpu.wait_dma2 semaphore(%run_scoped3A : memref<!tpu.dma_semaphore, #tpu.memory_space<semaphore_mem>>) src(%dma_wait3A_525 : memref<128x128xi32, #tpu.memory_space<hbm>>) dst(%arg5 : memref<128x128xi32, #tpu.memory_space<vmem>>)
      tpu.yield
    }) : () -> ()
    %dma_start3A = arith.constant 0 : i32
    %dma_start3A_3 = arith.constant 0 : i32
    %dma_start3A_4 = tpu.memref_slice %arg5[%dma_start3A, %dma_start3A_3] : memref<128x128xi32, #tpu.memory_space<vmem>> -> memref<1x128xi32, #tpu.memory_space<vmem>>
    %dma_start3A_5 = tpu.memref_squeeze %dma_start3A_4 : memref<1x128xi32, #tpu.memory_space<vmem>> -> memref<128xi32, #tpu.memory_space<vmem>>
    %dma_start3A_6 = arith.constant 0 : i32
    %dma_start3A_7 = arith.constant 0 : i32
    %dma_start3A_8 = tpu.memref_slice %arg3[%dma_start3A_6, %dma_start3A_7] : memref<108192x128xf32, #tpu.memory_space<hbm>> -> memref<108192x128xf32, #tpu.memory_space<hbm>>
    tpu.enqueue_indirect_dma source(%dma_start3A_8 : memref<108192x128xf32, #tpu.memory_space<hbm>>) target(%arg6 : memref<128x128xf32, #tpu.memory_space<vmem>>) offsets(%dma_start3A_5 : memref<128xi32, #tpu.memory_space<vmem>>) semaphore(%arg10 : memref<!tpu.dma_semaphore, #tpu.memory_space<semaphore_mem>>)
    %dma_start3A_9 = arith.constant 1 : i32
    %dma_start3A_10 = arith.constant 0 : i32
    %dma_start3A_11 = tpu.memref_slice %arg5[%dma_start3A_9, %dma_start3A_10] : memref<128x128xi32, #tpu.memory_space<vmem>> -> memref<1x128xi32, #tpu.memory_space<vmem>>
    %dma_start3A_12 = tpu.memref_squeeze %dma_start3A_11 : memref<1x128xi32, #tpu.memory_space<vmem>> -> memref<128xi32, #tpu.memory_space<vmem>>
    %dma_start3A_13 = arith.constant 0 : i32
    %dma_start3A_14 = arith.constant 0 : i32
    %dma_start3A_15 = tpu.memref_slice %arg3[%dma_start3A_13, %dma_start3A_14] : memref<108192x128xf32, #tpu.memory_space<hbm>> -> memref<108192x128xf32, #tpu.memory_space<hbm>>
    tpu.enqueue_indirect_dma source(%dma_start3A_15 : memref<108192x128xf32, #tpu.memory_space<hbm>>) target(%arg7 : memref<128x128xf32, #tpu.memory_space<vmem>>) offsets(%dma_start3A_12 : memref<128xi32, #tpu.memory_space<vmem>>) semaphore(%arg11 : memref<!tpu.dma_semaphore, #tpu.memory_space<semaphore_mem>>)
    %dma_start3A_16 = arith.constant 2 : i32
    %dma_start3A_17 = arith.constant 0 : i32
    %dma_start3A_18 = tpu.memref_slice %arg5[%dma_start3A_16, %dma_start3A_17] : memref<128x128xi32, #tpu.memory_space<vmem>> -> memref<1x128xi32, #tpu.memory_space<vmem>>
    %dma_start3A_19 = tpu.memref_squeeze %dma_start3A_18 : memref<1x128xi32, #tpu.memory_space<vmem>> -> memref<128xi32, #tpu.memory_space<vmem>>
    %dma_start3A_20 = arith.constant 0 : i32
    %dma_start3A_21 = arith.constant 0 : i32
    %dma_start3A_22 = tpu.memref_slice %arg3[%dma_start3A_20, %dma_start3A_21] : memref<108192x128xf32, #tpu.memory_space<hbm>> -> memref<108192x128xf32, #tpu.memory_space<hbm>>
    tpu.enqueue_indirect_dma source(%dma_start3A_22 : memref<108192x128xf32, #tpu.memory_space<hbm>>) target(%arg8 : memref<128x128xf32, #tpu.memory_space<vmem>>) offsets(%dma_start3A_19 : memref<128xi32, #tpu.memory_space<vmem>>) semaphore(%arg12 : memref<!tpu.dma_semaphore, #tpu.memory_space<semaphore_mem>>)
    %dma_wait3A = arith.constant 0 : i32
    %dma_wait3A_23 = arith.constant 0 : i32
    %dma_wait3A_24 = tpu.memref_slice %arg5[%dma_wait3A, %dma_wait3A_23] : memref<128x128xi32, #tpu.memory_space<vmem>> -> memref<1x128xi32, #tpu.memory_space<vmem>>
    %dma_wait3A_25 = tpu.memref_squeeze %dma_wait3A_24 : memref<1x128xi32, #tpu.memory_space<vmem>> -> memref<128xi32, #tpu.memory_space<vmem>>
    %dma_wait3A_26 = arith.constant 0 : i32
    %dma_wait3A_27 = arith.constant 0 : i32
    %dma_wait3A_28 = tpu.memref_slice %arg3[%dma_wait3A_26, %dma_wait3A_27] : memref<108192x128xf32, #tpu.memory_space<hbm>> -> memref<108192x128xf32, #tpu.memory_space<hbm>>
    tpu.wait_indirect_dma semaphore(%arg10 : memref<!tpu.dma_semaphore, #tpu.memory_space<semaphore_mem>>) src(%dma_wait3A_28 : memref<108192x128xf32, #tpu.memory_space<hbm>>) dst(%arg6 : memref<128x128xf32, #tpu.memory_space<vmem>>)
    %add3A_29 = arith.constant 0 : i32
    %add3A_30 = arith.addi %mul3A_2, %add3A_29 : i32
    %dma_start3A_31 = arith.constant 0 : i32
    %dma_start3A_32 = arith.constant 0 : i32
    %dma_start3A_33 = tpu.memref_slice %arg4[%add3A_30, %dma_start3A_31, %dma_start3A_32] : memref<4096x128x128xf32, #tpu.memory_space<hbm>> -> memref<1x128x128xf32, #tpu.memory_space<hbm>>
    %dma_start3A_34 = tpu.memref_squeeze %dma_start3A_33 : memref<1x128x128xf32, #tpu.memory_space<hbm>> -> memref<128x128xf32, #tpu.memory_space<hbm>>
    %dma_start3A_35 = arith.constant 0 : i32
    %dma_start3A_36 = arith.constant 0 : i32
    %dma_start3A_37 = tpu.memref_slice %arg4[%add3A_30, %dma_start3A_35, %dma_start3A_36] : memref<4096x128x128xf32, #tpu.memory_space<hbm>> -> memref<1x128x128xf32, #tpu.memory_space<hbm>>
    %dma_start3A_38 = tpu.memref_squeeze %dma_start3A_37 : memref<1x128x128xf32, #tpu.memory_space<hbm>> -> memref<128x128xf32, #tpu.memory_space<hbm>>
    tpu.enqueue_dma source(%arg6 : memref<128x128xf32, #tpu.memory_space<vmem>>) target(%dma_start3A_38 : memref<128x128xf32, #tpu.memory_space<hbm>>) target_semaphore(%arg14 : memref<!tpu.dma_semaphore, #tpu.memory_space<semaphore_mem>>)
    %dma_start3A_39 = arith.constant 3 : i32
    %dma_start3A_40 = arith.constant 0 : i32
    %dma_start3A_41 = tpu.memref_slice %arg5[%dma_start3A_39, %dma_start3A_40] : memref<128x128xi32, #tpu.memory_space<vmem>> -> memref<1x128xi32, #tpu.memory_space<vmem>>
    %dma_start3A_42 = tpu.memref_squeeze %dma_start3A_41 : memref<1x128xi32, #tpu.memory_space<vmem>> -> memref<128xi32, #tpu.memory_space<vmem>>
    %dma_start3A_43 = arith.constant 0 : i32
    %dma_start3A_44 = arith.constant 0 : i32
    %dma_start3A_45 = tpu.memref_slice %arg3[%dma_start3A_43, %dma_start3A_44] : memref<108192x128xf32, #tpu.memory_space<hbm>> -> memref<108192x128xf32, #tpu.memory_space<hbm>>
    tpu.enqueue_indirect_dma source(%dma_start3A_45 : memref<108192x128xf32, #tpu.memory_space<hbm>>) target(%arg9 : memref<128x128xf32, #tpu.memory_space<vmem>>) offsets(%dma_start3A_42 : memref<128xi32, #tpu.memory_space<vmem>>) semaphore(%arg13 : memref<!tpu.dma_semaphore, #tpu.memory_space<semaphore_mem>>)
    %dma_wait3A_46 = arith.constant 0 : i32
    %dma_wait3A_47 = arith.constant 0 : i32
    %dma_wait3A_48 = tpu.memref_slice %arg5[%dma_wait3A_46, %dma_wait3A_47] : memref<128x128xi32, #tpu.memory_space<vmem>> -> memref<1x128xi32, #tpu.memory_space<vmem>>
    %dma_wait3A_49 = tpu.memref_squeeze %dma_wait3A_48 : memref<1x128xi32, #tpu.memory_space<vmem>> -> memref<128xi32, #tpu.memory_space<vmem>>
    %dma_wait3A_50 = arith.constant 0 : i32
    %dma_wait3A_51 = arith.constant 0 : i32
    %dma_wait3A_52 = tpu.memref_slice %arg3[%dma_wait3A_50, %dma_wait3A_51] : memref<108192x128xf32, #tpu.memory_space<hbm>> -> memref<108192x128xf32, #tpu.memory_space<hbm>>
    tpu.wait_indirect_dma semaphore(%arg11 : memref<!tpu.dma_semaphore, #tpu.memory_space<semaphore_mem>>) src(%dma_wait3A_52 : memref<108192x128xf32, #tpu.memory_space<hbm>>) dst(%arg7 : memref<128x128xf32, #tpu.memory_space<vmem>>)
    %add3A_53 = arith.constant 1 : i32
    %add3A_54 = arith.addi %mul3A_2, %add3A_53 : i32
    %dma_start3A_55 = arith.constant 0 : i32
    %dma_start3A_56 = arith.constant 0 : i32
    %dma_start3A_57 = tpu.memref_slice %arg4[%add3A_54, %dma_start3A_55, %dma_start3A_56] : memref<4096x128x128xf32, #tpu.memory_space<hbm>> -> memref<1x128x128xf32, #tpu.memory_space<hbm>>
    %dma_start3A_58 = tpu.memref_squeeze %dma_start3A_57 : memref<1x128x128xf32, #tpu.memory_space<hbm>> -> memref<128x128xf32, #tpu.memory_space<hbm>>
    %dma_start3A_59 = arith.constant 0 : i32
    %dma_start3A_60 = arith.constant 0 : i32
    %dma_start3A_61 = tpu.memref_slice %arg4[%add3A_54, %dma_start3A_59, %dma_start3A_60] : memref<4096x128x128xf32, #tpu.memory_space<hbm>> -> memref<1x128x128xf32, #tpu.memory_space<hbm>>
    %dma_start3A_62 = tpu.memref_squeeze %dma_start3A_61 : memref<1x128x128xf32, #tpu.memory_space<hbm>> -> memref<128x128xf32, #tpu.memory_space<hbm>>
    tpu.enqueue_dma source(%arg7 : memref<128x128xf32, #tpu.memory_space<vmem>>) target(%dma_start3A_62 : memref<128x128xf32, #tpu.memory_space<hbm>>) target_semaphore(%arg15 : memref<!tpu.dma_semaphore, #tpu.memory_space<semaphore_mem>>)
    %dma_wait3A_63 = arith.constant 0 : i32
    %dma_wait3A_64 = arith.constant 0 : i32
    %dma_wait3A_65 = tpu.memref_slice %arg4[%mul3A_2, %dma_wait3A_63, %dma_wait3A_64] : memref<4096x128x128xf32, #tpu.memory_space<hbm>> -> memref<1x128x128xf32, #tpu.memory_space<hbm>>
    %dma_wait3A_66 = tpu.memref_squeeze %dma_wait3A_65 : memref<1x128x128xf32, #tpu.memory_space<hbm>> -> memref<128x128xf32, #tpu.memory_space<hbm>>
    %dma_wait3A_67 = arith.constant 0 : i32
    %dma_wait3A_68 = arith.constant 0 : i32
    %dma_wait3A_69 = tpu.memref_slice %arg4[%mul3A_2, %dma_wait3A_67, %dma_wait3A_68] : memref<4096x128x128xf32, #tpu.memory_space<hbm>> -> memref<1x128x128xf32, #tpu.memory_space<hbm>>
    %dma_wait3A_70 = tpu.memref_squeeze %dma_wait3A_69 : memref<1x128x128xf32, #tpu.memory_space<hbm>> -> memref<128x128xf32, #tpu.memory_space<hbm>>
    tpu.wait_dma2 semaphore(%arg14 : memref<!tpu.dma_semaphore, #tpu.memory_space<semaphore_mem>>) src(%arg6 : memref<128x128xf32, #tpu.memory_space<vmem>>) dst(%dma_wait3A_70 : memref<128x128xf32, #tpu.memory_space<hbm>>)
    %dma_start3A_71 = arith.constant 4 : i32
    %dma_start3A_72 = arith.constant 0 : i32
    %dma_start3A_73 = tpu.memref_slice %arg5[%dma_start3A_71, %dma_start3A_72] : memref<128x128xi32, #tpu.memory_space<vmem>> -> memref<1x128xi32, #tpu.memory_space<vmem>>
    %dma_start3A_74 = tpu.memref_squeeze %dma_start3A_73 : memref<1x128xi32, #tpu.memory_space<vmem>> -> memref<128xi32, #tpu.memory_space<vmem>>
    %dma_start3A_75 = arith.constant 0 : i32
    %dma_start3A_76 = arith.constant 0 : i32
    %dma_start3A_77 = tpu.memref_slice %arg3[%dma_start3A_75, %dma_start3A_76] : memref<108192x128xf32, #tpu.memory_space<hbm>> -> memref<108192x128xf32, #tpu.memory_space<hbm>>
    tpu.enqueue_indirect_dma source(%dma_start3A_77 : memref<108192x128xf32, #tpu.memory_space<hbm>>) target(%arg6 : memref<128x128xf32, #tpu.memory_space<vmem>>) offsets(%dma_start3A_74 : memref<128xi32, #tpu.memory_space<vmem>>) semaphore(%arg10 : memref<!tpu.dma_semaphore, #tpu.memory_space<semaphore_mem>>)
    %dma_wait3A_78 = arith.constant 0 : i32
    %dma_wait3A_79 = arith.constant 0 : i32
    %dma_wait3A_80 = tpu.memref_slice %arg5[%dma_wait3A_78, %dma_wait3A_79] : memref<128x128xi32, #tpu.memory_space<vmem>> -> memref<1x128xi32, #tpu.memory_space<vmem>>
    %dma_wait3A_81 = tpu.memref_squeeze %dma_wait3A_80 : memref<1x128xi32, #tpu.memory_space<vmem>> -> memref<128xi32, #tpu.memory_space<vmem>>
    %dma_wait3A_82 = arith.constant 0 : i32
    %dma_wait3A_83 = arith.constant 0 : i32
    %dma_wait3A_84 = tpu.memref_slice %arg3[%dma_wait3A_82, %dma_wait3A_83] : memref<108192x128xf32, #tpu.memory_space<hbm>> -> memref<108192x128xf32, #tpu.memory_space<hbm>>
    tpu.wait_indirect_dma semaphore(%arg12 : memref<!tpu.dma_semaphore, #tpu.memory_space<semaphore_mem>>) src(%dma_wait3A_84 : memref<108192x128xf32, #tpu.memory_space<hbm>>) dst(%arg8 : memref<128x128xf32, #tpu.memory_space<vmem>>)
    %add3A_85 = arith.constant 2 : i32
    %add3A_86 = arith.addi %mul3A_2, %add3A_85 : i32
    %dma_start3A_87 = arith.constant 0 : i32
    %dma_start3A_88 = arith.constant 0 : i32
    %dma_start3A_89 = tpu.memref_slice %arg4[%add3A_86, %dma_start3A_87, %dma_start3A_88] : memref<4096x128x128xf32, #tpu.memory_space<hbm>> -> memref<1x128x128xf32, #tpu.memory_space<hbm>>
    %dma_start3A_90 = tpu.memref_squeeze %dma_start3A_89 : memref<1x128x128xf32, #tpu.memory_space<hbm>> -> memref<128x128xf32, #tpu.memory_space<hbm>>
    %dma_start3A_91 = arith.constant 0 : i32
    %dma_start3A_92 = arith.constant 0 : i32
    %dma_start3A_93 = tpu.memref_slice %arg4[%add3A_86, %dma_start3A_91, %dma_start3A_92] : memref<4096x128x128xf32, #tpu.memory_space<hbm>> -> memref<1x128x128xf32, #tpu.memory_space<hbm>>
    %dma_start3A_94 = tpu.memref_squeeze %dma_start3A_93 : memref<1x128x128xf32, #tpu.memory_space<hbm>> -> memref<128x128xf32, #tpu.memory_space<hbm>>
    tpu.enqueue_dma source(%arg8 : memref<128x128xf32, #tpu.memory_space<vmem>>) target(%dma_start3A_94 : memref<128x128xf32, #tpu.memory_space<hbm>>) target_semaphore(%arg16 : memref<!tpu.dma_semaphore, #tpu.memory_space<semaphore_mem>>)
    %dma_wait3A_95 = arith.constant 0 : i32
    %dma_wait3A_96 = arith.constant 0 : i32
    %dma_wait3A_97 = tpu.memref_slice %arg4[%mul3A_2, %dma_wait3A_95, %dma_wait3A_96] : memref<4096x128x128xf32, #tpu.memory_space<hbm>> -> memref<1x128x128xf32, #tpu.memory_space<hbm>>
    %dma_wait3A_98 = tpu.memref_squeeze %dma_wait3A_97 : memref<1x128x128xf32, #tpu.memory_space<hbm>> -> memref<128x128xf32, #tpu.memory_space<hbm>>
    %dma_wait3A_99 = arith.constant 0 : i32
    %dma_wait3A_100 = arith.constant 0 : i32
    %dma_wait3A_101 = tpu.memref_slice %arg4[%mul3A_2, %dma_wait3A_99, %dma_wait3A_100] : memref<4096x128x128xf32, #tpu.memory_space<hbm>> -> memref<1x128x128xf32, #tpu.memory_space<hbm>>
    %dma_wait3A_102 = tpu.memref_squeeze %dma_wait3A_101 : memref<1x128x128xf32, #tpu.memory_space<hbm>> -> memref<128x128xf32, #tpu.memory_space<hbm>>
    tpu.wait_dma2 semaphore(%arg15 : memref<!tpu.dma_semaphore, #tpu.memory_space<semaphore_mem>>) src(%arg7 : memref<128x128xf32, #tpu.memory_space<vmem>>) dst(%dma_wait3A_102 : memref<128x128xf32, #tpu.memory_space<hbm>>)
    %dma_start3A_103 = arith.constant 5 : i32
    %dma_start3A_104 = arith.constant 0 : i32
    %dma_start3A_105 = tpu.memref_slice %arg5[%dma_start3A_103, %dma_start3A_104] : memref<128x128xi32, #tpu.memory_space<vmem>> -> memref<1x128xi32, #tpu.memory_space<vmem>>
    %dma_start3A_106 = tpu.memref_squeeze %dma_start3A_105 : memref<1x128xi32, #tpu.memory_space<vmem>> -> memref<128xi32, #tpu.memory_space<vmem>>
    %dma_start3A_107 = arith.constant 0 : i32
    %dma_start3A_108 = arith.constant 0 : i32
    %dma_start3A_109 = tpu.memref_slice %arg3[%dma_start3A_107, %dma_start3A_108] : memref<108192x128xf32, #tpu.memory_space<hbm>> -> memref<108192x128xf32, #tpu.memory_space<hbm>>
    tpu.enqueue_indirect_dma source(%dma_start3A_109 : memref<108192x128xf32, #tpu.memory_space<hbm>>) target(%arg7 : memref<128x128xf32, #tpu.memory_space<vmem>>) offsets(%dma_start3A_106 : memref<128xi32, #tpu.memory_space<vmem>>) semaphore(%arg11 : memref<!tpu.dma_semaphore, #tpu.memory_space<semaphore_mem>>)
    %dma_wait3A_110 = arith.constant 0 : i32
    %dma_wait3A_111 = arith.constant 0 : i32
    %dma_wait3A_112 = tpu.memref_slice %arg5[%dma_wait3A_110, %dma_wait3A_111] : memref<128x128xi32, #tpu.memory_space<vmem>> -> memref<1x128xi32, #tpu.memory_space<vmem>>
    %dma_wait3A_113 = tpu.memref_squeeze %dma_wait3A_112 : memref<1x128xi32, #tpu.memory_space<vmem>> -> memref<128xi32, #tpu.memory_space<vmem>>
    %dma_wait3A_114 = arith.constant 0 : i32
    %dma_wait3A_115 = arith.constant 0 : i32
    %dma_wait3A_116 = tpu.memref_slice %arg3[%dma_wait3A_114, %dma_wait3A_115] : memref<108192x128xf32, #tpu.memory_space<hbm>> -> memref<108192x128xf32, #tpu.memory_space<hbm>>
    tpu.wait_indirect_dma semaphore(%arg13 : memref<!tpu.dma_semaphore, #tpu.memory_space<semaphore_mem>>) src(%dma_wait3A_116 : memref<108192x128xf32, #tpu.memory_space<hbm>>) dst(%arg9 : memref<128x128xf32, #tpu.memory_space<vmem>>)
    %add3A_117 = arith.constant 3 : i32
    %add3A_118 = arith.addi %mul3A_2, %add3A_117 : i32
    %dma_start3A_119 = arith.constant 0 : i32
    %dma_start3A_120 = arith.constant 0 : i32
    %dma_start3A_121 = tpu.memref_slice %arg4[%add3A_118, %dma_start3A_119, %dma_start3A_120] : memref<4096x128x128xf32, #tpu.memory_space<hbm>> -> memref<1x128x128xf32, #tpu.memory_space<hbm>>
    %dma_start3A_122 = tpu.memref_squeeze %dma_start3A_121 : memref<1x128x128xf32, #tpu.memory_space<hbm>> -> memref<128x128xf32, #tpu.memory_space<hbm>>
    %dma_start3A_123 = arith.constant 0 : i32
    %dma_start3A_124 = arith.constant 0 : i32
    %dma_start3A_125 = tpu.memref_slice %arg4[%add3A_118, %dma_start3A_123, %dma_start3A_124] : memref<4096x128x128xf32, #tpu.memory_space<hbm>> -> memref<1x128x128xf32, #tpu.memory_space<hbm>>
    %dma_start3A_126 = tpu.memref_squeeze %dma_start3A_125 : memref<1x128x128xf32, #tpu.memory_space<hbm>> -> memref<128x128xf32, #tpu.memory_space<hbm>>
    tpu.enqueue_dma source(%arg9 : memref<128x128xf32, #tpu.memory_space<vmem>>) target(%dma_start3A_126 : memref<128x128xf32, #tpu.memory_space<hbm>>) target_semaphore(%arg17 : memref<!tpu.dma_semaphore, #tpu.memory_space<semaphore_mem>>)
    %dma_wait3A_127 = arith.constant 0 : i32
    %dma_wait3A_128 = arith.constant 0 : i32
    %dma_wait3A_129 = tpu.memref_slice %arg4[%mul3A_2, %dma_wait3A_127, %dma_wait3A_128] : memref<4096x128x128xf32, #tpu.memory_space<hbm>> -> memref<1x128x128xf32, #tpu.memory_space<hbm>>
    %dma_wait3A_130 = tpu.memref_squeeze %dma_wait3A_129 : memref<1x128x128xf32, #tpu.memory_space<hbm>> -> memref<128x128xf32, #tpu.memory_space<hbm>>
    %dma_wait3A_131 = arith.constant 0 : i32
    %dma_wait3A_132 = arith.constant 0 : i32
    %dma_wait3A_133 = tpu.memref_slice %arg4[%mul3A_2, %dma_wait3A_131, %dma_wait3A_132] : memref<4096x128x128xf32, #tpu.memory_space<hbm>> -> memref<1x128x128xf32, #tpu.memory_space<hbm>>
    %dma_wait3A_134 = tpu.memref_squeeze %dma_wait3A_133 : memref<1x128x128xf32, #tpu.memory_space<hbm>> -> memref<128x128xf32, #tpu.memory_space<hbm>>
    tpu.wait_dma2 semaphore(%arg16 : memref<!tpu.dma_semaphore, #tpu.memory_space<semaphore_mem>>) src(%arg8 : memref<128x128xf32, #tpu.memory_space<vmem>>) dst(%dma_wait3A_134 : memref<128x128xf32, #tpu.memory_space<hbm>>)
    %dma_start3A_135 = arith.constant 6 : i32
    %dma_start3A_136 = arith.constant 0 : i32
    %dma_start3A_137 = tpu.memref_slice %arg5[%dma_start3A_135, %dma_start3A_136] : memref<128x128xi32, #tpu.memory_space<vmem>> -> memref<1x128xi32, #tpu.memory_space<vmem>>
    %dma_start3A_138 = tpu.memref_squeeze %dma_start3A_137 : memref<1x128xi32, #tpu.memory_space<vmem>> -> memref<128xi32, #tpu.memory_space<vmem>>
    %dma_start3A_139 = arith.constant 0 : i32
    %dma_start3A_140 = arith.constant 0 : i32
    %dma_start3A_141 = tpu.memref_slice %arg3[%dma_start3A_139, %dma_start3A_140] : memref<108192x128xf32, #tpu.memory_space<hbm>> -> memref<108192x128xf32, #tpu.memory_space<hbm>>
    tpu.enqueue_indirect_dma source(%dma_start3A_141 : memref<108192x128xf32, #tpu.memory_space<hbm>>) target(%arg8 : memref<128x128xf32, #tpu.memory_space<vmem>>) offsets(%dma_start3A_138 : memref<128xi32, #tpu.memory_space<vmem>>) semaphore(%arg12 : memref<!tpu.dma_semaphore, #tpu.memory_space<semaphore_mem>>)
    %dma_wait3A_142 = arith.constant 0 : i32
    %dma_wait3A_143 = arith.constant 0 : i32
    %dma_wait3A_144 = tpu.memref_slice %arg5[%dma_wait3A_142, %dma_wait3A_143] : memref<128x128xi32, #tpu.memory_space<vmem>> -> memref<1x128xi32, #tpu.memory_space<vmem>>
    %dma_wait3A_145 = tpu.memref_squeeze %dma_wait3A_144 : memref<1x128xi32, #tpu.memory_space<vmem>> -> memref<128xi32, #tpu.memory_space<vmem>>
    %dma_wait3A_146 = arith.constant 0 : i32
    %dma_wait3A_147 = arith.constant 0 : i32
    %dma_wait3A_148 = tpu.memref_slice %arg3[%dma_wait3A_146, %dma_wait3A_147] : memref<108192x128xf32, #tpu.memory_space<hbm>> -> memref<108192x128xf32, #tpu.memory_space<hbm>>
    tpu.wait_indirect_dma semaphore(%arg10 : memref<!tpu.dma_semaphore, #tpu.memory_space<semaphore_mem>>) src(%dma_wait3A_148 : memref<108192x128xf32, #tpu.memory_space<hbm>>) dst(%arg6 : memref<128x128xf32, #tpu.memory_space<vmem>>)
    %add3A_149 = arith.constant 4 : i32
    %add3A_150 = arith.addi %mul3A_2, %add3A_149 : i32
    %dma_start3A_151 = arith.constant 0 : i32
    %dma_start3A_152 = arith.constant 0 : i32
    %dma_start3A_153 = tpu.memref_slice %arg4[%add3A_150, %dma_start3A_151, %dma_start3A_152] : memref<4096x128x128xf32, #tpu.memory_space<hbm>> -> memref<1x128x128xf32, #tpu.memory_space<hbm>>
    %dma_start3A_154 = tpu.memref_squeeze %dma_start3A_153 : memref<1x128x128xf32, #tpu.memory_space<hbm>> -> memref<128x128xf32, #tpu.memory_space<hbm>>
    %dma_start3A_155 = arith.constant 0 : i32
    %dma_start3A_156 = arith.constant 0 : i32
    %dma_start3A_157 = tpu.memref_slice %arg4[%add3A_150, %dma_start3A_155, %dma_start3A_156] : memref<4096x128x128xf32, #tpu.memory_space<hbm>> -> memref<1x128x128xf32, #tpu.memory_space<hbm>>
    %dma_start3A_158 = tpu.memref_squeeze %dma_start3A_157 : memref<1x128x128xf32, #tpu.memory_space<hbm>> -> memref<128x128xf32, #tpu.memory_space<hbm>>
    tpu.enqueue_dma source(%arg6 : memref<128x128xf32, #tpu.memory_space<vmem>>) target(%dma_start3A_158 : memref<128x128xf32, #tpu.memory_space<hbm>>) target_semaphore(%arg14 : memref<!tpu.dma_semaphore, #tpu.memory_space<semaphore_mem>>)
    %dma_wait3A_159 = arith.constant 0 : i32
    %dma_wait3A_160 = arith.constant 0 : i32
    %dma_wait3A_161 = tpu.memref_slice %arg4[%mul3A_2, %dma_wait3A_159, %dma_wait3A_160] : memref<4096x128x128xf32, #tpu.memory_space<hbm>> -> memref<1x128x128xf32, #tpu.memory_space<hbm>>
    %dma_wait3A_162 = tpu.memref_squeeze %dma_wait3A_161 : memref<1x128x128xf32, #tpu.memory_space<hbm>> -> memref<128x128xf32, #tpu.memory_space<hbm>>
    %dma_wait3A_163 = arith.constant 0 : i32
    %dma_wait3A_164 = arith.constant 0 : i32
    %dma_wait3A_165 = tpu.memref_slice %arg4[%mul3A_2, %dma_wait3A_163, %dma_wait3A_164] : memref<4096x128x128xf32, #tpu.memory_space<hbm>> -> memref<1x128x128xf32, #tpu.memory_space<hbm>>
    %dma_wait3A_166 = tpu.memref_squeeze %dma_wait3A_165 : memref<1x128x128xf32, #tpu.memory_space<hbm>> -> memref<128x128xf32, #tpu.memory_space<hbm>>
    tpu.wait_dma2 semaphore(%arg17 : memref<!tpu.dma_semaphore, #tpu.memory_space<semaphore_mem>>) src(%arg9 : memref<128x128xf32, #tpu.memory_space<vmem>>) dst(%dma_wait3A_166 : memref<128x128xf32, #tpu.memory_space<hbm>>)
    %dma_start3A_167 = arith.constant 7 : i32
    %dma_start3A_168 = arith.constant 0 : i32
    %dma_start3A_169 = tpu.memref_slice %arg5[%dma_start3A_167, %dma_start3A_168] : memref<128x128xi32, #tpu.memory_space<vmem>> -> memref<1x128xi32, #tpu.memory_space<vmem>>
    %dma_start3A_170 = tpu.memref_squeeze %dma_start3A_169 : memref<1x128xi32, #tpu.memory_space<vmem>> -> memref<128xi32, #tpu.memory_space<vmem>>
    %dma_start3A_171 = arith.constant 0 : i32
    %dma_start3A_172 = arith.constant 0 : i32
    %dma_start3A_173 = tpu.memref_slice %arg3[%dma_start3A_171, %dma_start3A_172] : memref<108192x128xf32, #tpu.memory_space<hbm>> -> memref<108192x128xf32, #tpu.memory_space<hbm>>
    tpu.enqueue_indirect_dma source(%dma_start3A_173 : memref<108192x128xf32, #tpu.memory_space<hbm>>) target(%arg9 : memref<128x128xf32, #tpu.memory_space<vmem>>) offsets(%dma_start3A_170 : memref<128xi32, #tpu.memory_space<vmem>>) semaphore(%arg13 : memref<!tpu.dma_semaphore, #tpu.memory_space<semaphore_mem>>)
    %dma_wait3A_174 = arith.constant 0 : i32
    %dma_wait3A_175 = arith.constant 0 : i32
    %dma_wait3A_176 = tpu.memref_slice %arg5[%dma_wait3A_174, %dma_wait3A_175] : memref<128x128xi32, #tpu.memory_space<vmem>> -> memref<1x128xi32, #tpu.memory_space<vmem>>
    %dma_wait3A_177 = tpu.memref_squeeze %dma_wait3A_176 : memref<1x128xi32, #tpu.memory_space<vmem>> -> memref<128xi32, #tpu.memory_space<vmem>>
    %dma_wait3A_178 = arith.constant 0 : i32
    %dma_wait3A_179 = arith.constant 0 : i32
    %dma_wait3A_180 = tpu.memref_slice %arg3[%dma_wait3A_178, %dma_wait3A_179] : memref<108192x128xf32, #tpu.memory_space<hbm>> -> memref<108192x128xf32, #tpu.memory_space<hbm>>
    tpu.wait_indirect_dma semaphore(%arg11 : memref<!tpu.dma_semaphore, #tpu.memory_space<semaphore_mem>>) src(%dma_wait3A_180 : memref<108192x128xf32, #tpu.memory_space<hbm>>) dst(%arg7 : memref<128x128xf32, #tpu.memory_space<vmem>>)
    %add3A_181 = arith.constant 5 : i32
    %add3A_182 = arith.addi %mul3A_2, %add3A_181 : i32
    %dma_start3A_183 = arith.constant 0 : i32
    %dma_start3A_184 = arith.constant 0 : i32
    %dma_start3A_185 = tpu.memref_slice %arg4[%add3A_182, %dma_start3A_183, %dma_start3A_184] : memref<4096x128x128xf32, #tpu.memory_space<hbm>> -> memref<1x128x128xf32, #tpu.memory_space<hbm>>
    %dma_start3A_186 = tpu.memref_squeeze %dma_start3A_185 : memref<1x128x128xf32, #tpu.memory_space<hbm>> -> memref<128x128xf32, #tpu.memory_space<hbm>>
    %dma_start3A_187 = arith.constant 0 : i32
    %dma_start3A_188 = arith.constant 0 : i32
    %dma_start3A_189 = tpu.memref_slice %arg4[%add3A_182, %dma_start3A_187, %dma_start3A_188] : memref<4096x128x128xf32, #tpu.memory_space<hbm>> -> memref<1x128x128xf32, #tpu.memory_space<hbm>>
    %dma_start3A_190 = tpu.memref_squeeze %dma_start3A_189 : memref<1x128x128xf32, #tpu.memory_space<hbm>> -> memref<128x128xf32, #tpu.memory_space<hbm>>
    tpu.enqueue_dma source(%arg7 : memref<128x128xf32, #tpu.memory_space<vmem>>) target(%dma_start3A_190 : memref<128x128xf32, #tpu.memory_space<hbm>>) target_semaphore(%arg15 : memref<!tpu.dma_semaphore, #tpu.memory_space<semaphore_mem>>)
    %dma_wait3A_191 = arith.constant 0 : i32
    %dma_wait3A_192 = arith.constant 0 : i32
    %dma_wait3A_193 = tpu.memref_slice %arg4[%mul3A_2, %dma_wait3A_191, %dma_wait3A_192] : memref<4096x128x128xf32, #tpu.memory_space<hbm>> -> memref<1x128x128xf32, #tpu.memory_space<hbm>>
    %dma_wait3A_194 = tpu.memref_squeeze %dma_wait3A_193 : memref<1x128x128xf32, #tpu.memory_space<hbm>> -> memref<128x128xf32, #tpu.memory_space<hbm>>
    %dma_wait3A_195 = arith.constant 0 : i32
    %dma_wait3A_196 = arith.constant 0 : i32
    %dma_wait3A_197 = tpu.memref_slice %arg4[%mul3A_2, %dma_wait3A_195, %dma_wait3A_196] : memref<4096x128x128xf32, #tpu.memory_space<hbm>> -> memref<1x128x128xf32, #tpu.memory_space<hbm>>
    %dma_wait3A_198 = tpu.memref_squeeze %dma_wait3A_197 : memref<1x128x128xf32, #tpu.memory_space<hbm>> -> memref<128x128xf32, #tpu.memory_space<hbm>>
    tpu.wait_dma2 semaphore(%arg14 : memref<!tpu.dma_semaphore, #tpu.memory_space<semaphore_mem>>) src(%arg6 : memref<128x128xf32, #tpu.memory_space<vmem>>) dst(%dma_wait3A_198 : memref<128x128xf32, #tpu.memory_space<hbm>>)
    %dma_start3A_199 = arith.constant 8 : i32
    %dma_start3A_200 = arith.constant 0 : i32
    %dma_start3A_201 = tpu.memref_slice %arg5[%dma_start3A_199, %dma_start3A_200] : memref<128x128xi32, #tpu.memory_space<vmem>> -> memref<1x128xi32, #tpu.memory_space<vmem>>
    %dma_start3A_202 = tpu.memref_squeeze %dma_start3A_201 : memref<1x128xi32, #tpu.memory_space<vmem>> -> memref<128xi32, #tpu.memory_space<vmem>>
    %dma_start3A_203 = arith.constant 0 : i32
    %dma_start3A_204 = arith.constant 0 : i32
    %dma_start3A_205 = tpu.memref_slice %arg3[%dma_start3A_203, %dma_start3A_204] : memref<108192x128xf32, #tpu.memory_space<hbm>> -> memref<108192x128xf32, #tpu.memory_space<hbm>>
    tpu.enqueue_indirect_dma source(%dma_start3A_205 : memref<108192x128xf32, #tpu.memory_space<hbm>>) target(%arg6 : memref<128x128xf32, #tpu.memory_space<vmem>>) offsets(%dma_start3A_202 : memref<128xi32, #tpu.memory_space<vmem>>) semaphore(%arg10 : memref<!tpu.dma_semaphore, #tpu.memory_space<semaphore_mem>>)
    %dma_wait3A_206 = arith.constant 0 : i32
    %dma_wait3A_207 = arith.constant 0 : i32
    %dma_wait3A_208 = tpu.memref_slice %arg5[%dma_wait3A_206, %dma_wait3A_207] : memref<128x128xi32, #tpu.memory_space<vmem>> -> memref<1x128xi32, #tpu.memory_space<vmem>>
    %dma_wait3A_209 = tpu.memref_squeeze %dma_wait3A_208 : memref<1x128xi32, #tpu.memory_space<vmem>> -> memref<128xi32, #tpu.memory_space<vmem>>
    %dma_wait3A_210 = arith.constant 0 : i32
    %dma_wait3A_211 = arith.constant 0 : i32
    %dma_wait3A_212 = tpu.memref_slice %arg3[%dma_wait3A_210, %dma_wait3A_211] : memref<108192x128xf32, #tpu.memory_space<hbm>> -> memref<108192x128xf32, #tpu.memory_space<hbm>>
    tpu.wait_indirect_dma semaphore(%arg12 : memref<!tpu.dma_semaphore, #tpu.memory_space<semaphore_mem>>) src(%dma_wait3A_212 : memref<108192x128xf32, #tpu.memory_space<hbm>>) dst(%arg8 : memref<128x128xf32, #tpu.memory_space<vmem>>)
    %add3A_213 = arith.constant 6 : i32
    %add3A_214 = arith.addi %mul3A_2, %add3A_213 : i32
    %dma_start3A_215 = arith.constant 0 : i32
    %dma_start3A_216 = arith.constant 0 : i32
    %dma_start3A_217 = tpu.memref_slice %arg4[%add3A_214, %dma_start3A_215, %dma_start3A_216] : memref<4096x128x128xf32, #tpu.memory_space<hbm>> -> memref<1x128x128xf32, #tpu.memory_space<hbm>>
    %dma_start3A_218 = tpu.memref_squeeze %dma_start3A_217 : memref<1x128x128xf32, #tpu.memory_space<hbm>> -> memref<128x128xf32, #tpu.memory_space<hbm>>
    %dma_start3A_219 = arith.constant 0 : i32
    %dma_start3A_220 = arith.constant 0 : i32
    %dma_start3A_221 = tpu.memref_slice %arg4[%add3A_214, %dma_start3A_219, %dma_start3A_220] : memref<4096x128x128xf32, #tpu.memory_space<hbm>> -> memref<1x128x128xf32, #tpu.memory_space<hbm>>
    %dma_start3A_222 = tpu.memref_squeeze %dma_start3A_221 : memref<1x128x128xf32, #tpu.memory_space<hbm>> -> memref<128x128xf32, #tpu.memory_space<hbm>>
    tpu.enqueue_dma source(%arg8 : memref<128x128xf32, #tpu.memory_space<vmem>>) target(%dma_start3A_222 : memref<128x128xf32, #tpu.memory_space<hbm>>) target_semaphore(%arg16 : memref<!tpu.dma_semaphore, #tpu.memory_space<semaphore_mem>>)
    %dma_wait3A_223 = arith.constant 0 : i32
    %dma_wait3A_224 = arith.constant 0 : i32
    %dma_wait3A_225 = tpu.memref_slice %arg4[%mul3A_2, %dma_wait3A_223, %dma_wait3A_224] : memref<4096x128x128xf32, #tpu.memory_space<hbm>> -> memref<1x128x128xf32, #tpu.memory_space<hbm>>
    %dma_wait3A_226 = tpu.memref_squeeze %dma_wait3A_225 : memref<1x128x128xf32, #tpu.memory_space<hbm>> -> memref<128x128xf32, #tpu.memory_space<hbm>>
    %dma_wait3A_227 = arith.constant 0 : i32
    %dma_wait3A_228 = arith.constant 0 : i32
    %dma_wait3A_229 = tpu.memref_slice %arg4[%mul3A_2, %dma_wait3A_227, %dma_wait3A_228] : memref<4096x128x128xf32, #tpu.memory_space<hbm>> -> memref<1x128x128xf32, #tpu.memory_space<hbm>>
    %dma_wait3A_230 = tpu.memref_squeeze %dma_wait3A_229 : memref<1x128x128xf32, #tpu.memory_space<hbm>> -> memref<128x128xf32, #tpu.memory_space<hbm>>
    tpu.wait_dma2 semaphore(%arg15 : memref<!tpu.dma_semaphore, #tpu.memory_space<semaphore_mem>>) src(%arg7 : memref<128x128xf32, #tpu.memory_space<vmem>>) dst(%dma_wait3A_230 : memref<128x128xf32, #tpu.memory_space<hbm>>)
    %dma_start3A_231 = arith.constant 9 : i32
    %dma_start3A_232 = arith.constant 0 : i32
    %dma_start3A_233 = tpu.memref_slice %arg5[%dma_start3A_231, %dma_start3A_232] : memref<128x128xi32, #tpu.memory_space<vmem>> -> memref<1x128xi32, #tpu.memory_space<vmem>>
    %dma_start3A_234 = tpu.memref_squeeze %dma_start3A_233 : memref<1x128xi32, #tpu.memory_space<vmem>> -> memref<128xi32, #tpu.memory_space<vmem>>
    %dma_start3A_235 = arith.constant 0 : i32
    %dma_start3A_236 = arith.constant 0 : i32
    %dma_start3A_237 = tpu.memref_slice %arg3[%dma_start3A_235, %dma_start3A_236] : memref<108192x128xf32, #tpu.memory_space<hbm>> -> memref<108192x128xf32, #tpu.memory_space<hbm>>
    tpu.enqueue_indirect_dma source(%dma_start3A_237 : memref<108192x128xf32, #tpu.memory_space<hbm>>) target(%arg7 : memref<128x128xf32, #tpu.memory_space<vmem>>) offsets(%dma_start3A_234 : memref<128xi32, #tpu.memory_space<vmem>>) semaphore(%arg11 : memref<!tpu.dma_semaphore, #tpu.memory_space<semaphore_mem>>)
    %dma_wait3A_238 = arith.constant 0 : i32
    %dma_wait3A_239 = arith.constant 0 : i32
    %dma_wait3A_240 = tpu.memref_slice %arg5[%dma_wait3A_238, %dma_wait3A_239] : memref<128x128xi32, #tpu.memory_space<vmem>> -> memref<1x128xi32, #tpu.memory_space<vmem>>
    %dma_wait3A_241 = tpu.memref_squeeze %dma_wait3A_240 : memref<1x128xi32, #tpu.memory_space<vmem>> -> memref<128xi32, #tpu.memory_space<vmem>>
    %dma_wait3A_242 = arith.constant 0 : i32
    %dma_wait3A_243 = arith.constant 0 : i32
    %dma_wait3A_244 = tpu.memref_slice %arg3[%dma_wait3A_242, %dma_wait3A_243] : memref<108192x128xf32, #tpu.memory_space<hbm>> -> memref<108192x128xf32, #tpu.memory_space<hbm>>
    tpu.wait_indirect_dma semaphore(%arg13 : memref<!tpu.dma_semaphore, #tpu.memory_space<semaphore_mem>>) src(%dma_wait3A_244 : memref<108192x128xf32, #tpu.memory_space<hbm>>) dst(%arg9 : memref<128x128xf32, #tpu.memory_space<vmem>>)
    %add3A_245 = arith.constant 7 : i32
    %add3A_246 = arith.addi %mul3A_2, %add3A_245 : i32
    %dma_start3A_247 = arith.constant 0 : i32
    %dma_start3A_248 = arith.constant 0 : i32
    %dma_start3A_249 = tpu.memref_slice %arg4[%add3A_246, %dma_start3A_247, %dma_start3A_248] : memref<4096x128x128xf32, #tpu.memory_space<hbm>> -> memref<1x128x128xf32, #tpu.memory_space<hbm>>
    %dma_start3A_250 = tpu.memref_squeeze %dma_start3A_249 : memref<1x128x128xf32, #tpu.memory_space<hbm>> -> memref<128x128xf32, #tpu.memory_space<hbm>>
    %dma_start3A_251 = arith.constant 0 : i32
    %dma_start3A_252 = arith.constant 0 : i32
    %dma_start3A_253 = tpu.memref_slice %arg4[%add3A_246, %dma_start3A_251, %dma_start3A_252] : memref<4096x128x128xf32, #tpu.memory_space<hbm>> -> memref<1x128x128xf32, #tpu.memory_space<hbm>>
    %dma_start3A_254 = tpu.memref_squeeze %dma_start3A_253 : memref<1x128x128xf32, #tpu.memory_space<hbm>> -> memref<128x128xf32, #tpu.memory_space<hbm>>
    tpu.enqueue_dma source(%arg9 : memref<128x128xf32, #tpu.memory_space<vmem>>) target(%dma_start3A_254 : memref<128x128xf32, #tpu.memory_space<hbm>>) target_semaphore(%arg17 : memref<!tpu.dma_semaphore, #tpu.memory_space<semaphore_mem>>)
    %dma_wait3A_255 = arith.constant 0 : i32
    %dma_wait3A_256 = arith.constant 0 : i32
    %dma_wait3A_257 = tpu.memref_slice %arg4[%mul3A_2, %dma_wait3A_255, %dma_wait3A_256] : memref<4096x128x128xf32, #tpu.memory_space<hbm>> -> memref<1x128x128xf32, #tpu.memory_space<hbm>>
    %dma_wait3A_258 = tpu.memref_squeeze %dma_wait3A_257 : memref<1x128x128xf32, #tpu.memory_space<hbm>> -> memref<128x128xf32, #tpu.memory_space<hbm>>
    %dma_wait3A_259 = arith.constant 0 : i32
    %dma_wait3A_260 = arith.constant 0 : i32
    %dma_wait3A_261 = tpu.memref_slice %arg4[%mul3A_2, %dma_wait3A_259, %dma_wait3A_260] : memref<4096x128x128xf32, #tpu.memory_space<hbm>> -> memref<1x128x128xf32, #tpu.memory_space<hbm>>
    %dma_wait3A_262 = tpu.memref_squeeze %dma_wait3A_261 : memref<1x128x128xf32, #tpu.memory_space<hbm>> -> memref<128x128xf32, #tpu.memory_space<hbm>>
    tpu.wait_dma2 semaphore(%arg16 : memref<!tpu.dma_semaphore, #tpu.memory_space<semaphore_mem>>) src(%arg8 : memref<128x128xf32, #tpu.memory_space<vmem>>) dst(%dma_wait3A_262 : memref<128x128xf32, #tpu.memory_space<hbm>>)
    %dma_start3A_263 = arith.constant 10 : i32
    %dma_start3A_264 = arith.constant 0 : i32
    %dma_start3A_265 = tpu.memref_slice %arg5[%dma_start3A_263, %dma_start3A_264] : memref<128x128xi32, #tpu.memory_space<vmem>> -> memref<1x128xi32, #tpu.memory_space<vmem>>
    %dma_start3A_266 = tpu.memref_squeeze %dma_start3A_265 : memref<1x128xi32, #tpu.memory_space<vmem>> -> memref<128xi32, #tpu.memory_space<vmem>>
    %dma_start3A_267 = arith.constant 0 : i32
    %dma_start3A_268 = arith.constant 0 : i32
    %dma_start3A_269 = tpu.memref_slice %arg3[%dma_start3A_267, %dma_start3A_268] : memref<108192x128xf32, #tpu.memory_space<hbm>> -> memref<108192x128xf32, #tpu.memory_space<hbm>>
    tpu.enqueue_indirect_dma source(%dma_start3A_269 : memref<108192x128xf32, #tpu.memory_space<hbm>>) target(%arg8 : memref<128x128xf32, #tpu.memory_space<vmem>>) offsets(%dma_start3A_266 : memref<128xi32, #tpu.memory_space<vmem>>) semaphore(%arg12 : memref<!tpu.dma_semaphore, #tpu.memory_space<semaphore_mem>>)
    %scan3A = arith.constant 0 : i32
    %scan3A_270 = arith.constant 1 : i32
    %scan3A_271 = arith.constant 14 : i32
    %scan3A_272 = arith.addi %scan3A_270, %scan3A_271 : i32
    %scan3A_273 = arith.constant 1 : i32
    scf.for %scan3A_518 = %scan3A_270 to %scan3A_272 step %scan3A_273  : i32 {
      %mul3A_519 = arith.constant 8 : i32
      %mul3A_520 = arith.muli %scan3A_518, %mul3A_519 : i32
      %dma_wait3A_521 = arith.constant 0 : i32
      %dma_wait3A_522 = arith.constant 0 : i32
      %dma_wait3A_523 = tpu.memref_slice %arg5[%dma_wait3A_521, %dma_wait3A_522] : memref<128x128xi32, #tpu.memory_space<vmem>> -> memref<1x128xi32, #tpu.memory_space<vmem>>
      %dma_wait3A_524 = tpu.memref_squeeze %dma_wait3A_523 : memref<1x128xi32, #tpu.memory_space<vmem>> -> memref<128xi32, #tpu.memory_space<vmem>>
      %dma_wait3A_525 = arith.constant 0 : i32
      %dma_wait3A_526 = arith.constant 0 : i32
      %dma_wait3A_527 = tpu.memref_slice %arg3[%dma_wait3A_525, %dma_wait3A_526] : memref<108192x128xf32, #tpu.memory_space<hbm>> -> memref<108192x128xf32, #tpu.memory_space<hbm>>
      tpu.wait_indirect_dma semaphore(%arg10 : memref<!tpu.dma_semaphore, #tpu.memory_space<semaphore_mem>>) src(%dma_wait3A_527 : memref<108192x128xf32, #tpu.memory_space<hbm>>) dst(%arg6 : memref<128x128xf32, #tpu.memory_space<vmem>>)
      %add3A_528 = arith.constant 0 : i32
      %add3A_529 = arith.addi %mul3A_520, %add3A_528 : i32
      %add3A_530 = arith.addi %mul3A_2, %add3A_529 : i32
      %dma_start3A_531 = arith.constant 0 : i32
      %dma_start3A_532 = arith.constant 0 : i32
      %dma_start3A_533 = tpu.memref_slice %arg4[%add3A_530, %dma_start3A_531, %dma_start3A_532] : memref<4096x128x128xf32, #tpu.memory_space<hbm>> -> memref<1x128x128xf32, #tpu.memory_space<hbm>>
      %dma_start3A_534 = tpu.memref_squeeze %dma_start3A_533 : memref<1x128x128xf32, #tpu.memory_space<hbm>> -> memref<128x128xf32, #tpu.memory_space<hbm>>
      %dma_start3A_535 = arith.constant 0 : i32
      %dma_start3A_536 = arith.constant 0 : i32
      %dma_start3A_537 = tpu.memref_slice %arg4[%add3A_530, %dma_start3A_535, %dma_start3A_536] : memref<4096x128x128xf32, #tpu.memory_space<hbm>> -> memref<1x128x128xf32, #tpu.memory_space<hbm>>
      %dma_start3A_538 = tpu.memref_squeeze %dma_start3A_537 : memref<1x128x128xf32, #tpu.memory_space<hbm>> -> memref<128x128xf32, #tpu.memory_space<hbm>>
      tpu.enqueue_dma source(%arg6 : memref<128x128xf32, #tpu.memory_space<vmem>>) target(%dma_start3A_538 : memref<128x128xf32, #tpu.memory_space<hbm>>) target_semaphore(%arg14 : memref<!tpu.dma_semaphore, #tpu.memory_space<semaphore_mem>>)
      %dma_wait3A_539 = arith.constant 0 : i32
      %dma_wait3A_540 = arith.constant 0 : i32
      %dma_wait3A_541 = tpu.memref_slice %arg4[%mul3A_2, %dma_wait3A_539, %dma_wait3A_540] : memref<4096x128x128xf32, #tpu.memory_space<hbm>> -> memref<1x128x128xf32, #tpu.memory_space<hbm>>
      %dma_wait3A_542 = tpu.memref_squeeze %dma_wait3A_541 : memref<1x128x128xf32, #tpu.memory_space<hbm>> -> memref<128x128xf32, #tpu.memory_space<hbm>>
      %dma_wait3A_543 = arith.constant 0 : i32
      %dma_wait3A_544 = arith.constant 0 : i32
      %dma_wait3A_545 = tpu.memref_slice %arg4[%mul3A_2, %dma_wait3A_543, %dma_wait3A_544] : memref<4096x128x128xf32, #tpu.memory_space<hbm>> -> memref<1x128x128xf32, #tpu.memory_space<hbm>>
      %dma_wait3A_546 = tpu.memref_squeeze %dma_wait3A_545 : memref<1x128x128xf32, #tpu.memory_space<hbm>> -> memref<128x128xf32, #tpu.memory_space<hbm>>
      tpu.wait_dma2 semaphore(%arg17 : memref<!tpu.dma_semaphore, #tpu.memory_space<semaphore_mem>>) src(%arg9 : memref<128x128xf32, #tpu.memory_space<vmem>>) dst(%dma_wait3A_546 : memref<128x128xf32, #tpu.memory_space<hbm>>)
      %add3A_547 = arith.constant 0 : i32
      %add3A_548 = arith.addi %mul3A_520, %add3A_547 : i32
      %add3A_549 = arith.constant 3 : i32
      %add3A_550 = arith.addi %add3A_548, %add3A_549 : i32
      %dma_start3A_551 = arith.constant 0 : i32
      %dma_start3A_552 = tpu.memref_slice %arg5[%add3A_550, %dma_start3A_551] : memref<128x128xi32, #tpu.memory_space<vmem>> -> memref<1x128xi32, #tpu.memory_space<vmem>>
      %dma_start3A_553 = tpu.memref_squeeze %dma_start3A_552 : memref<1x128xi32, #tpu.memory_space<vmem>> -> memref<128xi32, #tpu.memory_space<vmem>>
      %dma_start3A_554 = arith.constant 0 : i32
      %dma_start3A_555 = arith.constant 0 : i32
      %dma_start3A_556 = tpu.memref_slice %arg3[%dma_start3A_554, %dma_start3A_555] : memref<108192x128xf32, #tpu.memory_space<hbm>> -> memref<108192x128xf32, #tpu.memory_space<hbm>>
      tpu.enqueue_indirect_dma source(%dma_start3A_556 : memref<108192x128xf32, #tpu.memory_space<hbm>>) target(%arg9 : memref<128x128xf32, #tpu.memory_space<vmem>>) offsets(%dma_start3A_553 : memref<128xi32, #tpu.memory_space<vmem>>) semaphore(%arg13 : memref<!tpu.dma_semaphore, #tpu.memory_space<semaphore_mem>>)
      %dma_wait3A_557 = arith.constant 0 : i32
      %dma_wait3A_558 = arith.constant 0 : i32
      %dma_wait3A_559 = tpu.memref_slice %arg5[%dma_wait3A_557, %dma_wait3A_558] : memref<128x128xi32, #tpu.memory_space<vmem>> -> memref<1x128xi32, #tpu.memory_space<vmem>>
      %dma_wait3A_560 = tpu.memref_squeeze %dma_wait3A_559 : memref<1x128xi32, #tpu.memory_space<vmem>> -> memref<128xi32, #tpu.memory_space<vmem>>
      %dma_wait3A_561 = arith.constant 0 : i32
      %dma_wait3A_562 = arith.constant 0 : i32
      %dma_wait3A_563 = tpu.memref_slice %arg3[%dma_wait3A_561, %dma_wait3A_562] : memref<108192x128xf32, #tpu.memory_space<hbm>> -> memref<108192x128xf32, #tpu.memory_space<hbm>>
      tpu.wait_indirect_dma semaphore(%arg11 : memref<!tpu.dma_semaphore, #tpu.memory_space<semaphore_mem>>) src(%dma_wait3A_563 : memref<108192x128xf32, #tpu.memory_space<hbm>>) dst(%arg7 : memref<128x128xf32, #tpu.memory_space<vmem>>)
      %add3A_564 = arith.constant 1 : i32
      %add3A_565 = arith.addi %mul3A_520, %add3A_564 : i32
      %add3A_566 = arith.addi %mul3A_2, %add3A_565 : i32
      %dma_start3A_567 = arith.constant 0 : i32
      %dma_start3A_568 = arith.constant 0 : i32
      %dma_start3A_569 = tpu.memref_slice %arg4[%add3A_566, %dma_start3A_567, %dma_start3A_568] : memref<4096x128x128xf32, #tpu.memory_space<hbm>> -> memref<1x128x128xf32, #tpu.memory_space<hbm>>
      %dma_start3A_570 = tpu.memref_squeeze %dma_start3A_569 : memref<1x128x128xf32, #tpu.memory_space<hbm>> -> memref<128x128xf32, #tpu.memory_space<hbm>>
      %dma_start3A_571 = arith.constant 0 : i32
      %dma_start3A_572 = arith.constant 0 : i32
      %dma_start3A_573 = tpu.memref_slice %arg4[%add3A_566, %dma_start3A_571, %dma_start3A_572] : memref<4096x128x128xf32, #tpu.memory_space<hbm>> -> memref<1x128x128xf32, #tpu.memory_space<hbm>>
      %dma_start3A_574 = tpu.memref_squeeze %dma_start3A_573 : memref<1x128x128xf32, #tpu.memory_space<hbm>> -> memref<128x128xf32, #tpu.memory_space<hbm>>
      tpu.enqueue_dma source(%arg7 : memref<128x128xf32, #tpu.memory_space<vmem>>) target(%dma_start3A_574 : memref<128x128xf32, #tpu.memory_space<hbm>>) target_semaphore(%arg15 : memref<!tpu.dma_semaphore, #tpu.memory_space<semaphore_mem>>)
      %dma_wait3A_575 = arith.constant 0 : i32
      %dma_wait3A_576 = arith.constant 0 : i32
      %dma_wait3A_577 = tpu.memref_slice %arg4[%mul3A_2, %dma_wait3A_575, %dma_wait3A_576] : memref<4096x128x128xf32, #tpu.memory_space<hbm>> -> memref<1x128x128xf32, #tpu.memory_space<hbm>>
      %dma_wait3A_578 = tpu.memref_squeeze %dma_wait3A_577 : memref<1x128x128xf32, #tpu.memory_space<hbm>> -> memref<128x128xf32, #tpu.memory_space<hbm>>
      %dma_wait3A_579 = arith.constant 0 : i32
      %dma_wait3A_580 = arith.constant 0 : i32
      %dma_wait3A_581 = tpu.memref_slice %arg4[%mul3A_2, %dma_wait3A_579, %dma_wait3A_580] : memref<4096x128x128xf32, #tpu.memory_space<hbm>> -> memref<1x128x128xf32, #tpu.memory_space<hbm>>
      %dma_wait3A_582 = tpu.memref_squeeze %dma_wait3A_581 : memref<1x128x128xf32, #tpu.memory_space<hbm>> -> memref<128x128xf32, #tpu.memory_space<hbm>>
      tpu.wait_dma2 semaphore(%arg14 : memref<!tpu.dma_semaphore, #tpu.memory_space<semaphore_mem>>) src(%arg6 : memref<128x128xf32, #tpu.memory_space<vmem>>) dst(%dma_wait3A_582 : memref<128x128xf32, #tpu.memory_space<hbm>>)
      %add3A_583 = arith.constant 1 : i32
      %add3A_584 = arith.addi %mul3A_520, %add3A_583 : i32
      %add3A_585 = arith.constant 3 : i32
      %add3A_586 = arith.addi %add3A_584, %add3A_585 : i32
      %dma_start3A_587 = arith.constant 0 : i32
      %dma_start3A_588 = tpu.memref_slice %arg5[%add3A_586, %dma_start3A_587] : memref<128x128xi32, #tpu.memory_space<vmem>> -> memref<1x128xi32, #tpu.memory_space<vmem>>
      %dma_start3A_589 = tpu.memref_squeeze %dma_start3A_588 : memref<1x128xi32, #tpu.memory_space<vmem>> -> memref<128xi32, #tpu.memory_space<vmem>>
      %dma_start3A_590 = arith.constant 0 : i32
      %dma_start3A_591 = arith.constant 0 : i32
      %dma_start3A_592 = tpu.memref_slice %arg3[%dma_start3A_590, %dma_start3A_591] : memref<108192x128xf32, #tpu.memory_space<hbm>> -> memref<108192x128xf32, #tpu.memory_space<hbm>>
      tpu.enqueue_indirect_dma source(%dma_start3A_592 : memref<108192x128xf32, #tpu.memory_space<hbm>>) target(%arg6 : memref<128x128xf32, #tpu.memory_space<vmem>>) offsets(%dma_start3A_589 : memref<128xi32, #tpu.memory_space<vmem>>) semaphore(%arg10 : memref<!tpu.dma_semaphore, #tpu.memory_space<semaphore_mem>>)
      %dma_wait3A_593 = arith.constant 0 : i32
      %dma_wait3A_594 = arith.constant 0 : i32
      %dma_wait3A_595 = tpu.memref_slice %arg5[%dma_wait3A_593, %dma_wait3A_594] : memref<128x128xi32, #tpu.memory_space<vmem>> -> memref<1x128xi32, #tpu.memory_space<vmem>>
      %dma_wait3A_596 = tpu.memref_squeeze %dma_wait3A_595 : memref<1x128xi32, #tpu.memory_space<vmem>> -> memref<128xi32, #tpu.memory_space<vmem>>
      %dma_wait3A_597 = arith.constant 0 : i32
      %dma_wait3A_598 = arith.constant 0 : i32
      %dma_wait3A_599 = tpu.memref_slice %arg3[%dma_wait3A_597, %dma_wait3A_598] : memref<108192x128xf32, #tpu.memory_space<hbm>> -> memref<108192x128xf32, #tpu.memory_space<hbm>>
      tpu.wait_indirect_dma semaphore(%arg12 : memref<!tpu.dma_semaphore, #tpu.memory_space<semaphore_mem>>) src(%dma_wait3A_599 : memref<108192x128xf32, #tpu.memory_space<hbm>>) dst(%arg8 : memref<128x128xf32, #tpu.memory_space<vmem>>)
      %add3A_600 = arith.constant 2 : i32
      %add3A_601 = arith.addi %mul3A_520, %add3A_600 : i32
      %add3A_602 = arith.addi %mul3A_2, %add3A_601 : i32
      %dma_start3A_603 = arith.constant 0 : i32
      %dma_start3A_604 = arith.constant 0 : i32
      %dma_start3A_605 = tpu.memref_slice %arg4[%add3A_602, %dma_start3A_603, %dma_start3A_604] : memref<4096x128x128xf32, #tpu.memory_space<hbm>> -> memref<1x128x128xf32, #tpu.memory_space<hbm>>
      %dma_start3A_606 = tpu.memref_squeeze %dma_start3A_605 : memref<1x128x128xf32, #tpu.memory_space<hbm>> -> memref<128x128xf32, #tpu.memory_space<hbm>>
      %dma_start3A_607 = arith.constant 0 : i32
      %dma_start3A_608 = arith.constant 0 : i32
      %dma_start3A_609 = tpu.memref_slice %arg4[%add3A_602, %dma_start3A_607, %dma_start3A_608] : memref<4096x128x128xf32, #tpu.memory_space<hbm>> -> memref<1x128x128xf32, #tpu.memory_space<hbm>>
      %dma_start3A_610 = tpu.memref_squeeze %dma_start3A_609 : memref<1x128x128xf32, #tpu.memory_space<hbm>> -> memref<128x128xf32, #tpu.memory_space<hbm>>
      tpu.enqueue_dma source(%arg8 : memref<128x128xf32, #tpu.memory_space<vmem>>) target(%dma_start3A_610 : memref<128x128xf32, #tpu.memory_space<hbm>>) target_semaphore(%arg16 : memref<!tpu.dma_semaphore, #tpu.memory_space<semaphore_mem>>)
      %dma_wait3A_611 = arith.constant 0 : i32
      %dma_wait3A_612 = arith.constant 0 : i32
      %dma_wait3A_613 = tpu.memref_slice %arg4[%mul3A_2, %dma_wait3A_611, %dma_wait3A_612] : memref<4096x128x128xf32, #tpu.memory_space<hbm>> -> memref<1x128x128xf32, #tpu.memory_space<hbm>>
      %dma_wait3A_614 = tpu.memref_squeeze %dma_wait3A_613 : memref<1x128x128xf32, #tpu.memory_space<hbm>> -> memref<128x128xf32, #tpu.memory_space<hbm>>
      %dma_wait3A_615 = arith.constant 0 : i32
      %dma_wait3A_616 = arith.constant 0 : i32
      %dma_wait3A_617 = tpu.memref_slice %arg4[%mul3A_2, %dma_wait3A_615, %dma_wait3A_616] : memref<4096x128x128xf32, #tpu.memory_space<hbm>> -> memref<1x128x128xf32, #tpu.memory_space<hbm>>
      %dma_wait3A_618 = tpu.memref_squeeze %dma_wait3A_617 : memref<1x128x128xf32, #tpu.memory_space<hbm>> -> memref<128x128xf32, #tpu.memory_space<hbm>>
      tpu.wait_dma2 semaphore(%arg15 : memref<!tpu.dma_semaphore, #tpu.memory_space<semaphore_mem>>) src(%arg7 : memref<128x128xf32, #tpu.memory_space<vmem>>) dst(%dma_wait3A_618 : memref<128x128xf32, #tpu.memory_space<hbm>>)
      %add3A_619 = arith.constant 2 : i32
      %add3A_620 = arith.addi %mul3A_520, %add3A_619 : i32
      %add3A_621 = arith.constant 3 : i32
      %add3A_622 = arith.addi %add3A_620, %add3A_621 : i32
      %dma_start3A_623 = arith.constant 0 : i32
      %dma_start3A_624 = tpu.memref_slice %arg5[%add3A_622, %dma_start3A_623] : memref<128x128xi32, #tpu.memory_space<vmem>> -> memref<1x128xi32, #tpu.memory_space<vmem>>
      %dma_start3A_625 = tpu.memref_squeeze %dma_start3A_624 : memref<1x128xi32, #tpu.memory_space<vmem>> -> memref<128xi32, #tpu.memory_space<vmem>>
      %dma_start3A_626 = arith.constant 0 : i32
      %dma_start3A_627 = arith.constant 0 : i32
      %dma_start3A_628 = tpu.memref_slice %arg3[%dma_start3A_626, %dma_start3A_627] : memref<108192x128xf32, #tpu.memory_space<hbm>> -> memref<108192x128xf32, #tpu.memory_space<hbm>>
      tpu.enqueue_indirect_dma source(%dma_start3A_628 : memref<108192x128xf32, #tpu.memory_space<hbm>>) target(%arg7 : memref<128x128xf32, #tpu.memory_space<vmem>>) offsets(%dma_start3A_625 : memref<128xi32, #tpu.memory_space<vmem>>) semaphore(%arg11 : memref<!tpu.dma_semaphore, #tpu.memory_space<semaphore_mem>>)
      %dma_wait3A_629 = arith.constant 0 : i32
      %dma_wait3A_630 = arith.constant 0 : i32
      %dma_wait3A_631 = tpu.memref_slice %arg5[%dma_wait3A_629, %dma_wait3A_630] : memref<128x128xi32, #tpu.memory_space<vmem>> -> memref<1x128xi32, #tpu.memory_space<vmem>>
      %dma_wait3A_632 = tpu.memref_squeeze %dma_wait3A_631 : memref<1x128xi32, #tpu.memory_space<vmem>> -> memref<128xi32, #tpu.memory_space<vmem>>
      %dma_wait3A_633 = arith.constant 0 : i32
      %dma_wait3A_634 = arith.constant 0 : i32
      %dma_wait3A_635 = tpu.memref_slice %arg3[%dma_wait3A_633, %dma_wait3A_634] : memref<108192x128xf32, #tpu.memory_space<hbm>> -> memref<108192x128xf32, #tpu.memory_space<hbm>>
      tpu.wait_indirect_dma semaphore(%arg13 : memref<!tpu.dma_semaphore, #tpu.memory_space<semaphore_mem>>) src(%dma_wait3A_635 : memref<108192x128xf32, #tpu.memory_space<hbm>>) dst(%arg9 : memref<128x128xf32, #tpu.memory_space<vmem>>)
      %add3A_636 = arith.constant 3 : i32
      %add3A_637 = arith.addi %mul3A_520, %add3A_636 : i32
      %add3A_638 = arith.addi %mul3A_2, %add3A_637 : i32
      %dma_start3A_639 = arith.constant 0 : i32
      %dma_start3A_640 = arith.constant 0 : i32
      %dma_start3A_641 = tpu.memref_slice %arg4[%add3A_638, %dma_start3A_639, %dma_start3A_640] : memref<4096x128x128xf32, #tpu.memory_space<hbm>> -> memref<1x128x128xf32, #tpu.memory_space<hbm>>
      %dma_start3A_642 = tpu.memref_squeeze %dma_start3A_641 : memref<1x128x128xf32, #tpu.memory_space<hbm>> -> memref<128x128xf32, #tpu.memory_space<hbm>>
      %dma_start3A_643 = arith.constant 0 : i32
      %dma_start3A_644 = arith.constant 0 : i32
      %dma_start3A_645 = tpu.memref_slice %arg4[%add3A_638, %dma_start3A_643, %dma_start3A_644] : memref<4096x128x128xf32, #tpu.memory_space<hbm>> -> memref<1x128x128xf32, #tpu.memory_space<hbm>>
      %dma_start3A_646 = tpu.memref_squeeze %dma_start3A_645 : memref<1x128x128xf32, #tpu.memory_space<hbm>> -> memref<128x128xf32, #tpu.memory_space<hbm>>
      tpu.enqueue_dma source(%arg9 : memref<128x128xf32, #tpu.memory_space<vmem>>) target(%dma_start3A_646 : memref<128x128xf32, #tpu.memory_space<hbm>>) target_semaphore(%arg17 : memref<!tpu.dma_semaphore, #tpu.memory_space<semaphore_mem>>)
      %dma_wait3A_647 = arith.constant 0 : i32
      %dma_wait3A_648 = arith.constant 0 : i32
      %dma_wait3A_649 = tpu.memref_slice %arg4[%mul3A_2, %dma_wait3A_647, %dma_wait3A_648] : memref<4096x128x128xf32, #tpu.memory_space<hbm>> -> memref<1x128x128xf32, #tpu.memory_space<hbm>>
      %dma_wait3A_650 = tpu.memref_squeeze %dma_wait3A_649 : memref<1x128x128xf32, #tpu.memory_space<hbm>> -> memref<128x128xf32, #tpu.memory_space<hbm>>
      %dma_wait3A_651 = arith.constant 0 : i32
      %dma_wait3A_652 = arith.constant 0 : i32
      %dma_wait3A_653 = tpu.memref_slice %arg4[%mul3A_2, %dma_wait3A_651, %dma_wait3A_652] : memref<4096x128x128xf32, #tpu.memory_space<hbm>> -> memref<1x128x128xf32, #tpu.memory_space<hbm>>
      %dma_wait3A_654 = tpu.memref_squeeze %dma_wait3A_653 : memref<1x128x128xf32, #tpu.memory_space<hbm>> -> memref<128x128xf32, #tpu.memory_space<hbm>>
      tpu.wait_dma2 semaphore(%arg16 : memref<!tpu.dma_semaphore, #tpu.memory_space<semaphore_mem>>) src(%arg8 : memref<128x128xf32, #tpu.memory_space<vmem>>) dst(%dma_wait3A_654 : memref<128x128xf32, #tpu.memory_space<hbm>>)
      %add3A_655 = arith.constant 3 : i32
      %add3A_656 = arith.addi %mul3A_520, %add3A_655 : i32
      %add3A_657 = arith.constant 3 : i32
      %add3A_658 = arith.addi %add3A_656, %add3A_657 : i32
      %dma_start3A_659 = arith.constant 0 : i32
      %dma_start3A_660 = tpu.memref_slice %arg5[%add3A_658, %dma_start3A_659] : memref<128x128xi32, #tpu.memory_space<vmem>> -> memref<1x128xi32, #tpu.memory_space<vmem>>
      %dma_start3A_661 = tpu.memref_squeeze %dma_start3A_660 : memref<1x128xi32, #tpu.memory_space<vmem>> -> memref<128xi32, #tpu.memory_space<vmem>>
      %dma_start3A_662 = arith.constant 0 : i32
      %dma_start3A_663 = arith.constant 0 : i32
      %dma_start3A_664 = tpu.memref_slice %arg3[%dma_start3A_662, %dma_start3A_663] : memref<108192x128xf32, #tpu.memory_space<hbm>> -> memref<108192x128xf32, #tpu.memory_space<hbm>>
      tpu.enqueue_indirect_dma source(%dma_start3A_664 : memref<108192x128xf32, #tpu.memory_space<hbm>>) target(%arg8 : memref<128x128xf32, #tpu.memory_space<vmem>>) offsets(%dma_start3A_661 : memref<128xi32, #tpu.memory_space<vmem>>) semaphore(%arg12 : memref<!tpu.dma_semaphore, #tpu.memory_space<semaphore_mem>>)
      %dma_wait3A_665 = arith.constant 0 : i32
      %dma_wait3A_666 = arith.constant 0 : i32
      %dma_wait3A_667 = tpu.memref_slice %arg5[%dma_wait3A_665, %dma_wait3A_666] : memref<128x128xi32, #tpu.memory_space<vmem>> -> memref<1x128xi32, #tpu.memory_space<vmem>>
      %dma_wait3A_668 = tpu.memref_squeeze %dma_wait3A_667 : memref<1x128xi32, #tpu.memory_space<vmem>> -> memref<128xi32, #tpu.memory_space<vmem>>
      %dma_wait3A_669 = arith.constant 0 : i32
      %dma_wait3A_670 = arith.constant 0 : i32
      %dma_wait3A_671 = tpu.memref_slice %arg3[%dma_wait3A_669, %dma_wait3A_670] : memref<108192x128xf32, #tpu.memory_space<hbm>> -> memref<108192x128xf32, #tpu.memory_space<hbm>>
      tpu.wait_indirect_dma semaphore(%arg10 : memref<!tpu.dma_semaphore, #tpu.memory_space<semaphore_mem>>) src(%dma_wait3A_671 : memref<108192x128xf32, #tpu.memory_space<hbm>>) dst(%arg6 : memref<128x128xf32, #tpu.memory_space<vmem>>)
      %add3A_672 = arith.constant 4 : i32
      %add3A_673 = arith.addi %mul3A_520, %add3A_672 : i32
      %add3A_674 = arith.addi %mul3A_2, %add3A_673 : i32
      %dma_start3A_675 = arith.constant 0 : i32
      %dma_start3A_676 = arith.constant 0 : i32
      %dma_start3A_677 = tpu.memref_slice %arg4[%add3A_674, %dma_start3A_675, %dma_start3A_676] : memref<4096x128x128xf32, #tpu.memory_space<hbm>> -> memref<1x128x128xf32, #tpu.memory_space<hbm>>
      %dma_start3A_678 = tpu.memref_squeeze %dma_start3A_677 : memref<1x128x128xf32, #tpu.memory_space<hbm>> -> memref<128x128xf32, #tpu.memory_space<hbm>>
      %dma_start3A_679 = arith.constant 0 : i32
      %dma_start3A_680 = arith.constant 0 : i32
      %dma_start3A_681 = tpu.memref_slice %arg4[%add3A_674, %dma_start3A_679, %dma_start3A_680] : memref<4096x128x128xf32, #tpu.memory_space<hbm>> -> memref<1x128x128xf32, #tpu.memory_space<hbm>>
      %dma_start3A_682 = tpu.memref_squeeze %dma_start3A_681 : memref<1x128x128xf32, #tpu.memory_space<hbm>> -> memref<128x128xf32, #tpu.memory_space<hbm>>
      tpu.enqueue_dma source(%arg6 : memref<128x128xf32, #tpu.memory_space<vmem>>) target(%dma_start3A_682 : memref<128x128xf32, #tpu.memory_space<hbm>>) target_semaphore(%arg14 : memref<!tpu.dma_semaphore, #tpu.memory_space<semaphore_mem>>)
      %dma_wait3A_683 = arith.constant 0 : i32
      %dma_wait3A_684 = arith.constant 0 : i32
      %dma_wait3A_685 = tpu.memref_slice %arg4[%mul3A_2, %dma_wait3A_683, %dma_wait3A_684] : memref<4096x128x128xf32, #tpu.memory_space<hbm>> -> memref<1x128x128xf32, #tpu.memory_space<hbm>>
      %dma_wait3A_686 = tpu.memref_squeeze %dma_wait3A_685 : memref<1x128x128xf32, #tpu.memory_space<hbm>> -> memref<128x128xf32, #tpu.memory_space<hbm>>
      %dma_wait3A_687 = arith.constant 0 : i32
      %dma_wait3A_688 = arith.constant 0 : i32
      %dma_wait3A_689 = tpu.memref_slice %arg4[%mul3A_2, %dma_wait3A_687, %dma_wait3A_688] : memref<4096x128x128xf32, #tpu.memory_space<hbm>> -> memref<1x128x128xf32, #tpu.memory_space<hbm>>
      %dma_wait3A_690 = tpu.memref_squeeze %dma_wait3A_689 : memref<1x128x128xf32, #tpu.memory_space<hbm>> -> memref<128x128xf32, #tpu.memory_space<hbm>>
      tpu.wait_dma2 semaphore(%arg17 : memref<!tpu.dma_semaphore, #tpu.memory_space<semaphore_mem>>) src(%arg9 : memref<128x128xf32, #tpu.memory_space<vmem>>) dst(%dma_wait3A_690 : memref<128x128xf32, #tpu.memory_space<hbm>>)
      %add3A_691 = arith.constant 4 : i32
      %add3A_692 = arith.addi %mul3A_520, %add3A_691 : i32
      %add3A_693 = arith.constant 3 : i32
      %add3A_694 = arith.addi %add3A_692, %add3A_693 : i32
      %dma_start3A_695 = arith.constant 0 : i32
      %dma_start3A_696 = tpu.memref_slice %arg5[%add3A_694, %dma_start3A_695] : memref<128x128xi32, #tpu.memory_space<vmem>> -> memref<1x128xi32, #tpu.memory_space<vmem>>
      %dma_start3A_697 = tpu.memref_squeeze %dma_start3A_696 : memref<1x128xi32, #tpu.memory_space<vmem>> -> memref<128xi32, #tpu.memory_space<vmem>>
      %dma_start3A_698 = arith.constant 0 : i32
      %dma_start3A_699 = arith.constant 0 : i32
      %dma_start3A_700 = tpu.memref_slice %arg3[%dma_start3A_698, %dma_start3A_699] : memref<108192x128xf32, #tpu.memory_space<hbm>> -> memref<108192x128xf32, #tpu.memory_space<hbm>>
      tpu.enqueue_indirect_dma source(%dma_start3A_700 : memref<108192x128xf32, #tpu.memory_space<hbm>>) target(%arg9 : memref<128x128xf32, #tpu.memory_space<vmem>>) offsets(%dma_start3A_697 : memref<128xi32, #tpu.memory_space<vmem>>) semaphore(%arg13 : memref<!tpu.dma_semaphore, #tpu.memory_space<semaphore_mem>>)
      %dma_wait3A_701 = arith.constant 0 : i32
      %dma_wait3A_702 = arith.constant 0 : i32
      %dma_wait3A_703 = tpu.memref_slice %arg5[%dma_wait3A_701, %dma_wait3A_702] : memref<128x128xi32, #tpu.memory_space<vmem>> -> memref<1x128xi32, #tpu.memory_space<vmem>>
      %dma_wait3A_704 = tpu.memref_squeeze %dma_wait3A_703 : memref<1x128xi32, #tpu.memory_space<vmem>> -> memref<128xi32, #tpu.memory_space<vmem>>
      %dma_wait3A_705 = arith.constant 0 : i32
      %dma_wait3A_706 = arith.constant 0 : i32
      %dma_wait3A_707 = tpu.memref_slice %arg3[%dma_wait3A_705, %dma_wait3A_706] : memref<108192x128xf32, #tpu.memory_space<hbm>> -> memref<108192x128xf32, #tpu.memory_space<hbm>>
      tpu.wait_indirect_dma semaphore(%arg11 : memref<!tpu.dma_semaphore, #tpu.memory_space<semaphore_mem>>) src(%dma_wait3A_707 : memref<108192x128xf32, #tpu.memory_space<hbm>>) dst(%arg7 : memref<128x128xf32, #tpu.memory_space<vmem>>)
      %add3A_708 = arith.constant 5 : i32
      %add3A_709 = arith.addi %mul3A_520, %add3A_708 : i32
      %add3A_710 = arith.addi %mul3A_2, %add3A_709 : i32
      %dma_start3A_711 = arith.constant 0 : i32
      %dma_start3A_712 = arith.constant 0 : i32
      %dma_start3A_713 = tpu.memref_slice %arg4[%add3A_710, %dma_start3A_711, %dma_start3A_712] : memref<4096x128x128xf32, #tpu.memory_space<hbm>> -> memref<1x128x128xf32, #tpu.memory_space<hbm>>
      %dma_start3A_714 = tpu.memref_squeeze %dma_start3A_713 : memref<1x128x128xf32, #tpu.memory_space<hbm>> -> memref<128x128xf32, #tpu.memory_space<hbm>>
      %dma_start3A_715 = arith.constant 0 : i32
      %dma_start3A_716 = arith.constant 0 : i32
      %dma_start3A_717 = tpu.memref_slice %arg4[%add3A_710, %dma_start3A_715, %dma_start3A_716] : memref<4096x128x128xf32, #tpu.memory_space<hbm>> -> memref<1x128x128xf32, #tpu.memory_space<hbm>>
      %dma_start3A_718 = tpu.memref_squeeze %dma_start3A_717 : memref<1x128x128xf32, #tpu.memory_space<hbm>> -> memref<128x128xf32, #tpu.memory_space<hbm>>
      tpu.enqueue_dma source(%arg7 : memref<128x128xf32, #tpu.memory_space<vmem>>) target(%dma_start3A_718 : memref<128x128xf32, #tpu.memory_space<hbm>>) target_semaphore(%arg15 : memref<!tpu.dma_semaphore, #tpu.memory_space<semaphore_mem>>)
      %dma_wait3A_719 = arith.constant 0 : i32
      %dma_wait3A_720 = arith.constant 0 : i32
      %dma_wait3A_721 = tpu.memref_slice %arg4[%mul3A_2, %dma_wait3A_719, %dma_wait3A_720] : memref<4096x128x128xf32, #tpu.memory_space<hbm>> -> memref<1x128x128xf32, #tpu.memory_space<hbm>>
      %dma_wait3A_722 = tpu.memref_squeeze %dma_wait3A_721 : memref<1x128x128xf32, #tpu.memory_space<hbm>> -> memref<128x128xf32, #tpu.memory_space<hbm>>
      %dma_wait3A_723 = arith.constant 0 : i32
      %dma_wait3A_724 = arith.constant 0 : i32
      %dma_wait3A_725 = tpu.memref_slice %arg4[%mul3A_2, %dma_wait3A_723, %dma_wait3A_724] : memref<4096x128x128xf32, #tpu.memory_space<hbm>> -> memref<1x128x128xf32, #tpu.memory_space<hbm>>
      %dma_wait3A_726 = tpu.memref_squeeze %dma_wait3A_725 : memref<1x128x128xf32, #tpu.memory_space<hbm>> -> memref<128x128xf32, #tpu.memory_space<hbm>>
      tpu.wait_dma2 semaphore(%arg14 : memref<!tpu.dma_semaphore, #tpu.memory_space<semaphore_mem>>) src(%arg6 : memref<128x128xf32, #tpu.memory_space<vmem>>) dst(%dma_wait3A_726 : memref<128x128xf32, #tpu.memory_space<hbm>>)
      %add3A_727 = arith.constant 5 : i32
      %add3A_728 = arith.addi %mul3A_520, %add3A_727 : i32
      %add3A_729 = arith.constant 3 : i32
      %add3A_730 = arith.addi %add3A_728, %add3A_729 : i32
      %dma_start3A_731 = arith.constant 0 : i32
      %dma_start3A_732 = tpu.memref_slice %arg5[%add3A_730, %dma_start3A_731] : memref<128x128xi32, #tpu.memory_space<vmem>> -> memref<1x128xi32, #tpu.memory_space<vmem>>
      %dma_start3A_733 = tpu.memref_squeeze %dma_start3A_732 : memref<1x128xi32, #tpu.memory_space<vmem>> -> memref<128xi32, #tpu.memory_space<vmem>>
      %dma_start3A_734 = arith.constant 0 : i32
      %dma_start3A_735 = arith.constant 0 : i32
      %dma_start3A_736 = tpu.memref_slice %arg3[%dma_start3A_734, %dma_start3A_735] : memref<108192x128xf32, #tpu.memory_space<hbm>> -> memref<108192x128xf32, #tpu.memory_space<hbm>>
      tpu.enqueue_indirect_dma source(%dma_start3A_736 : memref<108192x128xf32, #tpu.memory_space<hbm>>) target(%arg6 : memref<128x128xf32, #tpu.memory_space<vmem>>) offsets(%dma_start3A_733 : memref<128xi32, #tpu.memory_space<vmem>>) semaphore(%arg10 : memref<!tpu.dma_semaphore, #tpu.memory_space<semaphore_mem>>)
      %dma_wait3A_737 = arith.constant 0 : i32
      %dma_wait3A_738 = arith.constant 0 : i32
      %dma_wait3A_739 = tpu.memref_slice %arg5[%dma_wait3A_737, %dma_wait3A_738] : memref<128x128xi32, #tpu.memory_space<vmem>> -> memref<1x128xi32, #tpu.memory_space<vmem>>
      %dma_wait3A_740 = tpu.memref_squeeze %dma_wait3A_739 : memref<1x128xi32, #tpu.memory_space<vmem>> -> memref<128xi32, #tpu.memory_space<vmem>>
      %dma_wait3A_741 = arith.constant 0 : i32
      %dma_wait3A_742 = arith.constant 0 : i32
      %dma_wait3A_743 = tpu.memref_slice %arg3[%dma_wait3A_741, %dma_wait3A_742] : memref<108192x128xf32, #tpu.memory_space<hbm>> -> memref<108192x128xf32, #tpu.memory_space<hbm>>
      tpu.wait_indirect_dma semaphore(%arg12 : memref<!tpu.dma_semaphore, #tpu.memory_space<semaphore_mem>>) src(%dma_wait3A_743 : memref<108192x128xf32, #tpu.memory_space<hbm>>) dst(%arg8 : memref<128x128xf32, #tpu.memory_space<vmem>>)
      %add3A_744 = arith.constant 6 : i32
      %add3A_745 = arith.addi %mul3A_520, %add3A_744 : i32
      %add3A_746 = arith.addi %mul3A_2, %add3A_745 : i32
      %dma_start3A_747 = arith.constant 0 : i32
      %dma_start3A_748 = arith.constant 0 : i32
      %dma_start3A_749 = tpu.memref_slice %arg4[%add3A_746, %dma_start3A_747, %dma_start3A_748] : memref<4096x128x128xf32, #tpu.memory_space<hbm>> -> memref<1x128x128xf32, #tpu.memory_space<hbm>>
      %dma_start3A_750 = tpu.memref_squeeze %dma_start3A_749 : memref<1x128x128xf32, #tpu.memory_space<hbm>> -> memref<128x128xf32, #tpu.memory_space<hbm>>
      %dma_start3A_751 = arith.constant 0 : i32
      %dma_start3A_752 = arith.constant 0 : i32
      %dma_start3A_753 = tpu.memref_slice %arg4[%add3A_746, %dma_start3A_751, %dma_start3A_752] : memref<4096x128x128xf32, #tpu.memory_space<hbm>> -> memref<1x128x128xf32, #tpu.memory_space<hbm>>
      %dma_start3A_754 = tpu.memref_squeeze %dma_start3A_753 : memref<1x128x128xf32, #tpu.memory_space<hbm>> -> memref<128x128xf32, #tpu.memory_space<hbm>>
      tpu.enqueue_dma source(%arg8 : memref<128x128xf32, #tpu.memory_space<vmem>>) target(%dma_start3A_754 : memref<128x128xf32, #tpu.memory_space<hbm>>) target_semaphore(%arg16 : memref<!tpu.dma_semaphore, #tpu.memory_space<semaphore_mem>>)
      %dma_wait3A_755 = arith.constant 0 : i32
      %dma_wait3A_756 = arith.constant 0 : i32
      %dma_wait3A_757 = tpu.memref_slice %arg4[%mul3A_2, %dma_wait3A_755, %dma_wait3A_756] : memref<4096x128x128xf32, #tpu.memory_space<hbm>> -> memref<1x128x128xf32, #tpu.memory_space<hbm>>
      %dma_wait3A_758 = tpu.memref_squeeze %dma_wait3A_757 : memref<1x128x128xf32, #tpu.memory_space<hbm>> -> memref<128x128xf32, #tpu.memory_space<hbm>>
      %dma_wait3A_759 = arith.constant 0 : i32
      %dma_wait3A_760 = arith.constant 0 : i32
      %dma_wait3A_761 = tpu.memref_slice %arg4[%mul3A_2, %dma_wait3A_759, %dma_wait3A_760] : memref<4096x128x128xf32, #tpu.memory_space<hbm>> -> memref<1x128x128xf32, #tpu.memory_space<hbm>>
      %dma_wait3A_762 = tpu.memref_squeeze %dma_wait3A_761 : memref<1x128x128xf32, #tpu.memory_space<hbm>> -> memref<128x128xf32, #tpu.memory_space<hbm>>
      tpu.wait_dma2 semaphore(%arg15 : memref<!tpu.dma_semaphore, #tpu.memory_space<semaphore_mem>>) src(%arg7 : memref<128x128xf32, #tpu.memory_space<vmem>>) dst(%dma_wait3A_762 : memref<128x128xf32, #tpu.memory_space<hbm>>)
      %add3A_763 = arith.constant 6 : i32
      %add3A_764 = arith.addi %mul3A_520, %add3A_763 : i32
      %add3A_765 = arith.constant 3 : i32
      %add3A_766 = arith.addi %add3A_764, %add3A_765 : i32
      %dma_start3A_767 = arith.constant 0 : i32
      %dma_start3A_768 = tpu.memref_slice %arg5[%add3A_766, %dma_start3A_767] : memref<128x128xi32, #tpu.memory_space<vmem>> -> memref<1x128xi32, #tpu.memory_space<vmem>>
      %dma_start3A_769 = tpu.memref_squeeze %dma_start3A_768 : memref<1x128xi32, #tpu.memory_space<vmem>> -> memref<128xi32, #tpu.memory_space<vmem>>
      %dma_start3A_770 = arith.constant 0 : i32
      %dma_start3A_771 = arith.constant 0 : i32
      %dma_start3A_772 = tpu.memref_slice %arg3[%dma_start3A_770, %dma_start3A_771] : memref<108192x128xf32, #tpu.memory_space<hbm>> -> memref<108192x128xf32, #tpu.memory_space<hbm>>
      tpu.enqueue_indirect_dma source(%dma_start3A_772 : memref<108192x128xf32, #tpu.memory_space<hbm>>) target(%arg7 : memref<128x128xf32, #tpu.memory_space<vmem>>) offsets(%dma_start3A_769 : memref<128xi32, #tpu.memory_space<vmem>>) semaphore(%arg11 : memref<!tpu.dma_semaphore, #tpu.memory_space<semaphore_mem>>)
      %dma_wait3A_773 = arith.constant 0 : i32
      %dma_wait3A_774 = arith.constant 0 : i32
      %dma_wait3A_775 = tpu.memref_slice %arg5[%dma_wait3A_773, %dma_wait3A_774] : memref<128x128xi32, #tpu.memory_space<vmem>> -> memref<1x128xi32, #tpu.memory_space<vmem>>
      %dma_wait3A_776 = tpu.memref_squeeze %dma_wait3A_775 : memref<1x128xi32, #tpu.memory_space<vmem>> -> memref<128xi32, #tpu.memory_space<vmem>>
      %dma_wait3A_777 = arith.constant 0 : i32
      %dma_wait3A_778 = arith.constant 0 : i32
      %dma_wait3A_779 = tpu.memref_slice %arg3[%dma_wait3A_777, %dma_wait3A_778] : memref<108192x128xf32, #tpu.memory_space<hbm>> -> memref<108192x128xf32, #tpu.memory_space<hbm>>
      tpu.wait_indirect_dma semaphore(%arg13 : memref<!tpu.dma_semaphore, #tpu.memory_space<semaphore_mem>>) src(%dma_wait3A_779 : memref<108192x128xf32, #tpu.memory_space<hbm>>) dst(%arg9 : memref<128x128xf32, #tpu.memory_space<vmem>>)
      %add3A_780 = arith.constant 7 : i32
      %add3A_781 = arith.addi %mul3A_520, %add3A_780 : i32
      %add3A_782 = arith.addi %mul3A_2, %add3A_781 : i32
      %dma_start3A_783 = arith.constant 0 : i32
      %dma_start3A_784 = arith.constant 0 : i32
      %dma_start3A_785 = tpu.memref_slice %arg4[%add3A_782, %dma_start3A_783, %dma_start3A_784] : memref<4096x128x128xf32, #tpu.memory_space<hbm>> -> memref<1x128x128xf32, #tpu.memory_space<hbm>>
      %dma_start3A_786 = tpu.memref_squeeze %dma_start3A_785 : memref<1x128x128xf32, #tpu.memory_space<hbm>> -> memref<128x128xf32, #tpu.memory_space<hbm>>
      %dma_start3A_787 = arith.constant 0 : i32
      %dma_start3A_788 = arith.constant 0 : i32
      %dma_start3A_789 = tpu.memref_slice %arg4[%add3A_782, %dma_start3A_787, %dma_start3A_788] : memref<4096x128x128xf32, #tpu.memory_space<hbm>> -> memref<1x128x128xf32, #tpu.memory_space<hbm>>
      %dma_start3A_790 = tpu.memref_squeeze %dma_start3A_789 : memref<1x128x128xf32, #tpu.memory_space<hbm>> -> memref<128x128xf32, #tpu.memory_space<hbm>>
      tpu.enqueue_dma source(%arg9 : memref<128x128xf32, #tpu.memory_space<vmem>>) target(%dma_start3A_790 : memref<128x128xf32, #tpu.memory_space<hbm>>) target_semaphore(%arg17 : memref<!tpu.dma_semaphore, #tpu.memory_space<semaphore_mem>>)
      %dma_wait3A_791 = arith.constant 0 : i32
      %dma_wait3A_792 = arith.constant 0 : i32
      %dma_wait3A_793 = tpu.memref_slice %arg4[%mul3A_2, %dma_wait3A_791, %dma_wait3A_792] : memref<4096x128x128xf32, #tpu.memory_space<hbm>> -> memref<1x128x128xf32, #tpu.memory_space<hbm>>
      %dma_wait3A_794 = tpu.memref_squeeze %dma_wait3A_793 : memref<1x128x128xf32, #tpu.memory_space<hbm>> -> memref<128x128xf32, #tpu.memory_space<hbm>>
      %dma_wait3A_795 = arith.constant 0 : i32
      %dma_wait3A_796 = arith.constant 0 : i32
      %dma_wait3A_797 = tpu.memref_slice %arg4[%mul3A_2, %dma_wait3A_795, %dma_wait3A_796] : memref<4096x128x128xf32, #tpu.memory_space<hbm>> -> memref<1x128x128xf32, #tpu.memory_space<hbm>>
      %dma_wait3A_798 = tpu.memref_squeeze %dma_wait3A_797 : memref<1x128x128xf32, #tpu.memory_space<hbm>> -> memref<128x128xf32, #tpu.memory_space<hbm>>
      tpu.wait_dma2 semaphore(%arg16 : memref<!tpu.dma_semaphore, #tpu.memory_space<semaphore_mem>>) src(%arg8 : memref<128x128xf32, #tpu.memory_space<vmem>>) dst(%dma_wait3A_798 : memref<128x128xf32, #tpu.memory_space<hbm>>)
      %add3A_799 = arith.constant 7 : i32
      %add3A_800 = arith.addi %mul3A_520, %add3A_799 : i32
      %add3A_801 = arith.constant 3 : i32
      %add3A_802 = arith.addi %add3A_800, %add3A_801 : i32
      %dma_start3A_803 = arith.constant 0 : i32
      %dma_start3A_804 = tpu.memref_slice %arg5[%add3A_802, %dma_start3A_803] : memref<128x128xi32, #tpu.memory_space<vmem>> -> memref<1x128xi32, #tpu.memory_space<vmem>>
      %dma_start3A_805 = tpu.memref_squeeze %dma_start3A_804 : memref<1x128xi32, #tpu.memory_space<vmem>> -> memref<128xi32, #tpu.memory_space<vmem>>
      %dma_start3A_806 = arith.constant 0 : i32
      %dma_start3A_807 = arith.constant 0 : i32
      %dma_start3A_808 = tpu.memref_slice %arg3[%dma_start3A_806, %dma_start3A_807] : memref<108192x128xf32, #tpu.memory_space<hbm>> -> memref<108192x128xf32, #tpu.memory_space<hbm>>
      tpu.enqueue_indirect_dma source(%dma_start3A_808 : memref<108192x128xf32, #tpu.memory_space<hbm>>) target(%arg8 : memref<128x128xf32, #tpu.memory_space<vmem>>) offsets(%dma_start3A_805 : memref<128xi32, #tpu.memory_space<vmem>>) semaphore(%arg12 : memref<!tpu.dma_semaphore, #tpu.memory_space<semaphore_mem>>)
    }
    %scan3A_274 = arith.constant 14 : i32
    %dma_wait3A_275 = arith.constant 0 : i32
    %dma_wait3A_276 = arith.constant 0 : i32
    %dma_wait3A_277 = tpu.memref_slice %arg5[%dma_wait3A_275, %dma_wait3A_276] : memref<128x128xi32, #tpu.memory_space<vmem>> -> memref<1x128xi32, #tpu.memory_space<vmem>>
    %dma_wait3A_278 = tpu.memref_squeeze %dma_wait3A_277 : memref<1x128xi32, #tpu.memory_space<vmem>> -> memref<128xi32, #tpu.memory_space<vmem>>
    %dma_wait3A_279 = arith.constant 0 : i32
    %dma_wait3A_280 = arith.constant 0 : i32
    %dma_wait3A_281 = tpu.memref_slice %arg3[%dma_wait3A_279, %dma_wait3A_280] : memref<108192x128xf32, #tpu.memory_space<hbm>> -> memref<108192x128xf32, #tpu.memory_space<hbm>>
    tpu.wait_indirect_dma semaphore(%arg10 : memref<!tpu.dma_semaphore, #tpu.memory_space<semaphore_mem>>) src(%dma_wait3A_281 : memref<108192x128xf32, #tpu.memory_space<hbm>>) dst(%arg6 : memref<128x128xf32, #tpu.memory_space<vmem>>)
    %add3A_282 = arith.constant 120 : i32
    %add3A_283 = arith.addi %mul3A_2, %add3A_282 : i32
    %dma_start3A_284 = arith.constant 0 : i32
    %dma_start3A_285 = arith.constant 0 : i32
    %dma_start3A_286 = tpu.memref_slice %arg4[%add3A_283, %dma_start3A_284, %dma_start3A_285] : memref<4096x128x128xf32, #tpu.memory_space<hbm>> -> memref<1x128x128xf32, #tpu.memory_space<hbm>>
    %dma_start3A_287 = tpu.memref_squeeze %dma_start3A_286 : memref<1x128x128xf32, #tpu.memory_space<hbm>> -> memref<128x128xf32, #tpu.memory_space<hbm>>
    %dma_start3A_288 = arith.constant 0 : i32
    %dma_start3A_289 = arith.constant 0 : i32
    %dma_start3A_290 = tpu.memref_slice %arg4[%add3A_283, %dma_start3A_288, %dma_start3A_289] : memref<4096x128x128xf32, #tpu.memory_space<hbm>> -> memref<1x128x128xf32, #tpu.memory_space<hbm>>
    %dma_start3A_291 = tpu.memref_squeeze %dma_start3A_290 : memref<1x128x128xf32, #tpu.memory_space<hbm>> -> memref<128x128xf32, #tpu.memory_space<hbm>>
    tpu.enqueue_dma source(%arg6 : memref<128x128xf32, #tpu.memory_space<vmem>>) target(%dma_start3A_291 : memref<128x128xf32, #tpu.memory_space<hbm>>) target_semaphore(%arg14 : memref<!tpu.dma_semaphore, #tpu.memory_space<semaphore_mem>>)
    %dma_wait3A_292 = arith.constant 0 : i32
    %dma_wait3A_293 = arith.constant 0 : i32
    %dma_wait3A_294 = tpu.memref_slice %arg4[%mul3A_2, %dma_wait3A_292, %dma_wait3A_293] : memref<4096x128x128xf32, #tpu.memory_space<hbm>> -> memref<1x128x128xf32, #tpu.memory_space<hbm>>
    %dma_wait3A_295 = tpu.memref_squeeze %dma_wait3A_294 : memref<1x128x128xf32, #tpu.memory_space<hbm>> -> memref<128x128xf32, #tpu.memory_space<hbm>>
    %dma_wait3A_296 = arith.constant 0 : i32
    %dma_wait3A_297 = arith.constant 0 : i32
    %dma_wait3A_298 = tpu.memref_slice %arg4[%mul3A_2, %dma_wait3A_296, %dma_wait3A_297] : memref<4096x128x128xf32, #tpu.memory_space<hbm>> -> memref<1x128x128xf32, #tpu.memory_space<hbm>>
    %dma_wait3A_299 = tpu.memref_squeeze %dma_wait3A_298 : memref<1x128x128xf32, #tpu.memory_space<hbm>> -> memref<128x128xf32, #tpu.memory_space<hbm>>
    tpu.wait_dma2 semaphore(%arg17 : memref<!tpu.dma_semaphore, #tpu.memory_space<semaphore_mem>>) src(%arg9 : memref<128x128xf32, #tpu.memory_space<vmem>>) dst(%dma_wait3A_299 : memref<128x128xf32, #tpu.memory_space<hbm>>)
    %dma_start3A_300 = arith.constant 123 : i32
    %dma_start3A_301 = arith.constant 0 : i32
    %dma_start3A_302 = tpu.memref_slice %arg5[%dma_start3A_300, %dma_start3A_301] : memref<128x128xi32, #tpu.memory_space<vmem>> -> memref<1x128xi32, #tpu.memory_space<vmem>>
    %dma_start3A_303 = tpu.memref_squeeze %dma_start3A_302 : memref<1x128xi32, #tpu.memory_space<vmem>> -> memref<128xi32, #tpu.memory_space<vmem>>
    %dma_start3A_304 = arith.constant 0 : i32
    %dma_start3A_305 = arith.constant 0 : i32
    %dma_start3A_306 = tpu.memref_slice %arg3[%dma_start3A_304, %dma_start3A_305] : memref<108192x128xf32, #tpu.memory_space<hbm>> -> memref<108192x128xf32, #tpu.memory_space<hbm>>
    tpu.enqueue_indirect_dma source(%dma_start3A_306 : memref<108192x128xf32, #tpu.memory_space<hbm>>) target(%arg9 : memref<128x128xf32, #tpu.memory_space<vmem>>) offsets(%dma_start3A_303 : memref<128xi32, #tpu.memory_space<vmem>>) semaphore(%arg13 : memref<!tpu.dma_semaphore, #tpu.memory_space<semaphore_mem>>)
    %dma_wait3A_307 = arith.constant 0 : i32
    %dma_wait3A_308 = arith.constant 0 : i32
    %dma_wait3A_309 = tpu.memref_slice %arg5[%dma_wait3A_307, %dma_wait3A_308] : memref<128x128xi32, #tpu.memory_space<vmem>> -> memref<1x128xi32, #tpu.memory_space<vmem>>
    %dma_wait3A_310 = tpu.memref_squeeze %dma_wait3A_309 : memref<1x128xi32, #tpu.memory_space<vmem>> -> memref<128xi32, #tpu.memory_space<vmem>>
    %dma_wait3A_311 = arith.constant 0 : i32
    %dma_wait3A_312 = arith.constant 0 : i32
    %dma_wait3A_313 = tpu.memref_slice %arg3[%dma_wait3A_311, %dma_wait3A_312] : memref<108192x128xf32, #tpu.memory_space<hbm>> -> memref<108192x128xf32, #tpu.memory_space<hbm>>
    tpu.wait_indirect_dma semaphore(%arg11 : memref<!tpu.dma_semaphore, #tpu.memory_space<semaphore_mem>>) src(%dma_wait3A_313 : memref<108192x128xf32, #tpu.memory_space<hbm>>) dst(%arg7 : memref<128x128xf32, #tpu.memory_space<vmem>>)
    %add3A_314 = arith.constant 121 : i32
    %add3A_315 = arith.addi %mul3A_2, %add3A_314 : i32
    %dma_start3A_316 = arith.constant 0 : i32
    %dma_start3A_317 = arith.constant 0 : i32
    %dma_start3A_318 = tpu.memref_slice %arg4[%add3A_315, %dma_start3A_316, %dma_start3A_317] : memref<4096x128x128xf32, #tpu.memory_space<hbm>> -> memref<1x128x128xf32, #tpu.memory_space<hbm>>
    %dma_start3A_319 = tpu.memref_squeeze %dma_start3A_318 : memref<1x128x128xf32, #tpu.memory_space<hbm>> -> memref<128x128xf32, #tpu.memory_space<hbm>>
    %dma_start3A_320 = arith.constant 0 : i32
    %dma_start3A_321 = arith.constant 0 : i32
    %dma_start3A_322 = tpu.memref_slice %arg4[%add3A_315, %dma_start3A_320, %dma_start3A_321] : memref<4096x128x128xf32, #tpu.memory_space<hbm>> -> memref<1x128x128xf32, #tpu.memory_space<hbm>>
    %dma_start3A_323 = tpu.memref_squeeze %dma_start3A_322 : memref<1x128x128xf32, #tpu.memory_space<hbm>> -> memref<128x128xf32, #tpu.memory_space<hbm>>
    tpu.enqueue_dma source(%arg7 : memref<128x128xf32, #tpu.memory_space<vmem>>) target(%dma_start3A_323 : memref<128x128xf32, #tpu.memory_space<hbm>>) target_semaphore(%arg15 : memref<!tpu.dma_semaphore, #tpu.memory_space<semaphore_mem>>)
    %dma_wait3A_324 = arith.constant 0 : i32
    %dma_wait3A_325 = arith.constant 0 : i32
    %dma_wait3A_326 = tpu.memref_slice %arg4[%mul3A_2, %dma_wait3A_324, %dma_wait3A_325] : memref<4096x128x128xf32, #tpu.memory_space<hbm>> -> memref<1x128x128xf32, #tpu.memory_space<hbm>>
    %dma_wait3A_327 = tpu.memref_squeeze %dma_wait3A_326 : memref<1x128x128xf32, #tpu.memory_space<hbm>> -> memref<128x128xf32, #tpu.memory_space<hbm>>
    %dma_wait3A_328 = arith.constant 0 : i32
    %dma_wait3A_329 = arith.constant 0 : i32
    %dma_wait3A_330 = tpu.memref_slice %arg4[%mul3A_2, %dma_wait3A_328, %dma_wait3A_329] : memref<4096x128x128xf32, #tpu.memory_space<hbm>> -> memref<1x128x128xf32, #tpu.memory_space<hbm>>
    %dma_wait3A_331 = tpu.memref_squeeze %dma_wait3A_330 : memref<1x128x128xf32, #tpu.memory_space<hbm>> -> memref<128x128xf32, #tpu.memory_space<hbm>>
    tpu.wait_dma2 semaphore(%arg14 : memref<!tpu.dma_semaphore, #tpu.memory_space<semaphore_mem>>) src(%arg6 : memref<128x128xf32, #tpu.memory_space<vmem>>) dst(%dma_wait3A_331 : memref<128x128xf32, #tpu.memory_space<hbm>>)
    %dma_start3A_332 = arith.constant 124 : i32
    %dma_start3A_333 = arith.constant 0 : i32
    %dma_start3A_334 = tpu.memref_slice %arg5[%dma_start3A_332, %dma_start3A_333] : memref<128x128xi32, #tpu.memory_space<vmem>> -> memref<1x128xi32, #tpu.memory_space<vmem>>
    %dma_start3A_335 = tpu.memref_squeeze %dma_start3A_334 : memref<1x128xi32, #tpu.memory_space<vmem>> -> memref<128xi32, #tpu.memory_space<vmem>>
    %dma_start3A_336 = arith.constant 0 : i32
    %dma_start3A_337 = arith.constant 0 : i32
    %dma_start3A_338 = tpu.memref_slice %arg3[%dma_start3A_336, %dma_start3A_337] : memref<108192x128xf32, #tpu.memory_space<hbm>> -> memref<108192x128xf32, #tpu.memory_space<hbm>>
    tpu.enqueue_indirect_dma source(%dma_start3A_338 : memref<108192x128xf32, #tpu.memory_space<hbm>>) target(%arg6 : memref<128x128xf32, #tpu.memory_space<vmem>>) offsets(%dma_start3A_335 : memref<128xi32, #tpu.memory_space<vmem>>) semaphore(%arg10 : memref<!tpu.dma_semaphore, #tpu.memory_space<semaphore_mem>>)
    %dma_wait3A_339 = arith.constant 0 : i32
    %dma_wait3A_340 = arith.constant 0 : i32
    %dma_wait3A_341 = tpu.memref_slice %arg5[%dma_wait3A_339, %dma_wait3A_340] : memref<128x128xi32, #tpu.memory_space<vmem>> -> memref<1x128xi32, #tpu.memory_space<vmem>>
    %dma_wait3A_342 = tpu.memref_squeeze %dma_wait3A_341 : memref<1x128xi32, #tpu.memory_space<vmem>> -> memref<128xi32, #tpu.memory_space<vmem>>
    %dma_wait3A_343 = arith.constant 0 : i32
    %dma_wait3A_344 = arith.constant 0 : i32
    %dma_wait3A_345 = tpu.memref_slice %arg3[%dma_wait3A_343, %dma_wait3A_344] : memref<108192x128xf32, #tpu.memory_space<hbm>> -> memref<108192x128xf32, #tpu.memory_space<hbm>>
    tpu.wait_indirect_dma semaphore(%arg12 : memref<!tpu.dma_semaphore, #tpu.memory_space<semaphore_mem>>) src(%dma_wait3A_345 : memref<108192x128xf32, #tpu.memory_space<hbm>>) dst(%arg8 : memref<128x128xf32, #tpu.memory_space<vmem>>)
    %add3A_346 = arith.constant 122 : i32
    %add3A_347 = arith.addi %mul3A_2, %add3A_346 : i32
    %dma_start3A_348 = arith.constant 0 : i32
    %dma_start3A_349 = arith.constant 0 : i32
    %dma_start3A_350 = tpu.memref_slice %arg4[%add3A_347, %dma_start3A_348, %dma_start3A_349] : memref<4096x128x128xf32, #tpu.memory_space<hbm>> -> memref<1x128x128xf32, #tpu.memory_space<hbm>>
    %dma_start3A_351 = tpu.memref_squeeze %dma_start3A_350 : memref<1x128x128xf32, #tpu.memory_space<hbm>> -> memref<128x128xf32, #tpu.memory_space<hbm>>
    %dma_start3A_352 = arith.constant 0 : i32
    %dma_start3A_353 = arith.constant 0 : i32
    %dma_start3A_354 = tpu.memref_slice %arg4[%add3A_347, %dma_start3A_352, %dma_start3A_353] : memref<4096x128x128xf32, #tpu.memory_space<hbm>> -> memref<1x128x128xf32, #tpu.memory_space<hbm>>
    %dma_start3A_355 = tpu.memref_squeeze %dma_start3A_354 : memref<1x128x128xf32, #tpu.memory_space<hbm>> -> memref<128x128xf32, #tpu.memory_space<hbm>>
    tpu.enqueue_dma source(%arg8 : memref<128x128xf32, #tpu.memory_space<vmem>>) target(%dma_start3A_355 : memref<128x128xf32, #tpu.memory_space<hbm>>) target_semaphore(%arg16 : memref<!tpu.dma_semaphore, #tpu.memory_space<semaphore_mem>>)
    %dma_wait3A_356 = arith.constant 0 : i32
    %dma_wait3A_357 = arith.constant 0 : i32
    %dma_wait3A_358 = tpu.memref_slice %arg4[%mul3A_2, %dma_wait3A_356, %dma_wait3A_357] : memref<4096x128x128xf32, #tpu.memory_space<hbm>> -> memref<1x128x128xf32, #tpu.memory_space<hbm>>
    %dma_wait3A_359 = tpu.memref_squeeze %dma_wait3A_358 : memref<1x128x128xf32, #tpu.memory_space<hbm>> -> memref<128x128xf32, #tpu.memory_space<hbm>>
    %dma_wait3A_360 = arith.constant 0 : i32
    %dma_wait3A_361 = arith.constant 0 : i32
    %dma_wait3A_362 = tpu.memref_slice %arg4[%mul3A_2, %dma_wait3A_360, %dma_wait3A_361] : memref<4096x128x128xf32, #tpu.memory_space<hbm>> -> memref<1x128x128xf32, #tpu.memory_space<hbm>>
    %dma_wait3A_363 = tpu.memref_squeeze %dma_wait3A_362 : memref<1x128x128xf32, #tpu.memory_space<hbm>> -> memref<128x128xf32, #tpu.memory_space<hbm>>
    tpu.wait_dma2 semaphore(%arg15 : memref<!tpu.dma_semaphore, #tpu.memory_space<semaphore_mem>>) src(%arg7 : memref<128x128xf32, #tpu.memory_space<vmem>>) dst(%dma_wait3A_363 : memref<128x128xf32, #tpu.memory_space<hbm>>)
    %dma_start3A_364 = arith.constant 125 : i32
    %dma_start3A_365 = arith.constant 0 : i32
    %dma_start3A_366 = tpu.memref_slice %arg5[%dma_start3A_364, %dma_start3A_365] : memref<128x128xi32, #tpu.memory_space<vmem>> -> memref<1x128xi32, #tpu.memory_space<vmem>>
    %dma_start3A_367 = tpu.memref_squeeze %dma_start3A_366 : memref<1x128xi32, #tpu.memory_space<vmem>> -> memref<128xi32, #tpu.memory_space<vmem>>
    %dma_start3A_368 = arith.constant 0 : i32
    %dma_start3A_369 = arith.constant 0 : i32
    %dma_start3A_370 = tpu.memref_slice %arg3[%dma_start3A_368, %dma_start3A_369] : memref<108192x128xf32, #tpu.memory_space<hbm>> -> memref<108192x128xf32, #tpu.memory_space<hbm>>
    tpu.enqueue_indirect_dma source(%dma_start3A_370 : memref<108192x128xf32, #tpu.memory_space<hbm>>) target(%arg7 : memref<128x128xf32, #tpu.memory_space<vmem>>) offsets(%dma_start3A_367 : memref<128xi32, #tpu.memory_space<vmem>>) semaphore(%arg11 : memref<!tpu.dma_semaphore, #tpu.memory_space<semaphore_mem>>)
    %dma_wait3A_371 = arith.constant 0 : i32
    %dma_wait3A_372 = arith.constant 0 : i32
    %dma_wait3A_373 = tpu.memref_slice %arg5[%dma_wait3A_371, %dma_wait3A_372] : memref<128x128xi32, #tpu.memory_space<vmem>> -> memref<1x128xi32, #tpu.memory_space<vmem>>
    %dma_wait3A_374 = tpu.memref_squeeze %dma_wait3A_373 : memref<1x128xi32, #tpu.memory_space<vmem>> -> memref<128xi32, #tpu.memory_space<vmem>>
    %dma_wait3A_375 = arith.constant 0 : i32
    %dma_wait3A_376 = arith.constant 0 : i32
    %dma_wait3A_377 = tpu.memref_slice %arg3[%dma_wait3A_375, %dma_wait3A_376] : memref<108192x128xf32, #tpu.memory_space<hbm>> -> memref<108192x128xf32, #tpu.memory_space<hbm>>
    tpu.wait_indirect_dma semaphore(%arg13 : memref<!tpu.dma_semaphore, #tpu.memory_space<semaphore_mem>>) src(%dma_wait3A_377 : memref<108192x128xf32, #tpu.memory_space<hbm>>) dst(%arg9 : memref<128x128xf32, #tpu.memory_space<vmem>>)
    %add3A_378 = arith.constant 123 : i32
    %add3A_379 = arith.addi %mul3A_2, %add3A_378 : i32
    %dma_start3A_380 = arith.constant 0 : i32
    %dma_start3A_381 = arith.constant 0 : i32
    %dma_start3A_382 = tpu.memref_slice %arg4[%add3A_379, %dma_start3A_380, %dma_start3A_381] : memref<4096x128x128xf32, #tpu.memory_space<hbm>> -> memref<1x128x128xf32, #tpu.memory_space<hbm>>
    %dma_start3A_383 = tpu.memref_squeeze %dma_start3A_382 : memref<1x128x128xf32, #tpu.memory_space<hbm>> -> memref<128x128xf32, #tpu.memory_space<hbm>>
    %dma_start3A_384 = arith.constant 0 : i32
    %dma_start3A_385 = arith.constant 0 : i32
    %dma_start3A_386 = tpu.memref_slice %arg4[%add3A_379, %dma_start3A_384, %dma_start3A_385] : memref<4096x128x128xf32, #tpu.memory_space<hbm>> -> memref<1x128x128xf32, #tpu.memory_space<hbm>>
    %dma_start3A_387 = tpu.memref_squeeze %dma_start3A_386 : memref<1x128x128xf32, #tpu.memory_space<hbm>> -> memref<128x128xf32, #tpu.memory_space<hbm>>
    tpu.enqueue_dma source(%arg9 : memref<128x128xf32, #tpu.memory_space<vmem>>) target(%dma_start3A_387 : memref<128x128xf32, #tpu.memory_space<hbm>>) target_semaphore(%arg17 : memref<!tpu.dma_semaphore, #tpu.memory_space<semaphore_mem>>)
    %dma_wait3A_388 = arith.constant 0 : i32
    %dma_wait3A_389 = arith.constant 0 : i32
    %dma_wait3A_390 = tpu.memref_slice %arg4[%mul3A_2, %dma_wait3A_388, %dma_wait3A_389] : memref<4096x128x128xf32, #tpu.memory_space<hbm>> -> memref<1x128x128xf32, #tpu.memory_space<hbm>>
    %dma_wait3A_391 = tpu.memref_squeeze %dma_wait3A_390 : memref<1x128x128xf32, #tpu.memory_space<hbm>> -> memref<128x128xf32, #tpu.memory_space<hbm>>
    %dma_wait3A_392 = arith.constant 0 : i32
    %dma_wait3A_393 = arith.constant 0 : i32
    %dma_wait3A_394 = tpu.memref_slice %arg4[%mul3A_2, %dma_wait3A_392, %dma_wait3A_393] : memref<4096x128x128xf32, #tpu.memory_space<hbm>> -> memref<1x128x128xf32, #tpu.memory_space<hbm>>
    %dma_wait3A_395 = tpu.memref_squeeze %dma_wait3A_394 : memref<1x128x128xf32, #tpu.memory_space<hbm>> -> memref<128x128xf32, #tpu.memory_space<hbm>>
    tpu.wait_dma2 semaphore(%arg16 : memref<!tpu.dma_semaphore, #tpu.memory_space<semaphore_mem>>) src(%arg8 : memref<128x128xf32, #tpu.memory_space<vmem>>) dst(%dma_wait3A_395 : memref<128x128xf32, #tpu.memory_space<hbm>>)
    %dma_start3A_396 = arith.constant 126 : i32
    %dma_start3A_397 = arith.constant 0 : i32
    %dma_start3A_398 = tpu.memref_slice %arg5[%dma_start3A_396, %dma_start3A_397] : memref<128x128xi32, #tpu.memory_space<vmem>> -> memref<1x128xi32, #tpu.memory_space<vmem>>
    %dma_start3A_399 = tpu.memref_squeeze %dma_start3A_398 : memref<1x128xi32, #tpu.memory_space<vmem>> -> memref<128xi32, #tpu.memory_space<vmem>>
    %dma_start3A_400 = arith.constant 0 : i32
    %dma_start3A_401 = arith.constant 0 : i32
    %dma_start3A_402 = tpu.memref_slice %arg3[%dma_start3A_400, %dma_start3A_401] : memref<108192x128xf32, #tpu.memory_space<hbm>> -> memref<108192x128xf32, #tpu.memory_space<hbm>>
    tpu.enqueue_indirect_dma source(%dma_start3A_402 : memref<108192x128xf32, #tpu.memory_space<hbm>>) target(%arg8 : memref<128x128xf32, #tpu.memory_space<vmem>>) offsets(%dma_start3A_399 : memref<128xi32, #tpu.memory_space<vmem>>) semaphore(%arg12 : memref<!tpu.dma_semaphore, #tpu.memory_space<semaphore_mem>>)
    %dma_wait3A_403 = arith.constant 0 : i32
    %dma_wait3A_404 = arith.constant 0 : i32
    %dma_wait3A_405 = tpu.memref_slice %arg5[%dma_wait3A_403, %dma_wait3A_404] : memref<128x128xi32, #tpu.memory_space<vmem>> -> memref<1x128xi32, #tpu.memory_space<vmem>>
    %dma_wait3A_406 = tpu.memref_squeeze %dma_wait3A_405 : memref<1x128xi32, #tpu.memory_space<vmem>> -> memref<128xi32, #tpu.memory_space<vmem>>
    %dma_wait3A_407 = arith.constant 0 : i32
    %dma_wait3A_408 = arith.constant 0 : i32
    %dma_wait3A_409 = tpu.memref_slice %arg3[%dma_wait3A_407, %dma_wait3A_408] : memref<108192x128xf32, #tpu.memory_space<hbm>> -> memref<108192x128xf32, #tpu.memory_space<hbm>>
    tpu.wait_indirect_dma semaphore(%arg10 : memref<!tpu.dma_semaphore, #tpu.memory_space<semaphore_mem>>) src(%dma_wait3A_409 : memref<108192x128xf32, #tpu.memory_space<hbm>>) dst(%arg6 : memref<128x128xf32, #tpu.memory_space<vmem>>)
    %add3A_410 = arith.constant 124 : i32
    %add3A_411 = arith.addi %mul3A_2, %add3A_410 : i32
    %dma_start3A_412 = arith.constant 0 : i32
    %dma_start3A_413 = arith.constant 0 : i32
    %dma_start3A_414 = tpu.memref_slice %arg4[%add3A_411, %dma_start3A_412, %dma_start3A_413] : memref<4096x128x128xf32, #tpu.memory_space<hbm>> -> memref<1x128x128xf32, #tpu.memory_space<hbm>>
    %dma_start3A_415 = tpu.memref_squeeze %dma_start3A_414 : memref<1x128x128xf32, #tpu.memory_space<hbm>> -> memref<128x128xf32, #tpu.memory_space<hbm>>
    %dma_start3A_416 = arith.constant 0 : i32
    %dma_start3A_417 = arith.constant 0 : i32
    %dma_start3A_418 = tpu.memref_slice %arg4[%add3A_411, %dma_start3A_416, %dma_start3A_417] : memref<4096x128x128xf32, #tpu.memory_space<hbm>> -> memref<1x128x128xf32, #tpu.memory_space<hbm>>
    %dma_start3A_419 = tpu.memref_squeeze %dma_start3A_418 : memref<1x128x128xf32, #tpu.memory_space<hbm>> -> memref<128x128xf32, #tpu.memory_space<hbm>>
    tpu.enqueue_dma source(%arg6 : memref<128x128xf32, #tpu.memory_space<vmem>>) target(%dma_start3A_419 : memref<128x128xf32, #tpu.memory_space<hbm>>) target_semaphore(%arg14 : memref<!tpu.dma_semaphore, #tpu.memory_space<semaphore_mem>>)
    %dma_wait3A_420 = arith.constant 0 : i32
    %dma_wait3A_421 = arith.constant 0 : i32
    %dma_wait3A_422 = tpu.memref_slice %arg4[%mul3A_2, %dma_wait3A_420, %dma_wait3A_421] : memref<4096x128x128xf32, #tpu.memory_space<hbm>> -> memref<1x128x128xf32, #tpu.memory_space<hbm>>
    %dma_wait3A_423 = tpu.memref_squeeze %dma_wait3A_422 : memref<1x128x128xf32, #tpu.memory_space<hbm>> -> memref<128x128xf32, #tpu.memory_space<hbm>>
    %dma_wait3A_424 = arith.constant 0 : i32
    %dma_wait3A_425 = arith.constant 0 : i32
    %dma_wait3A_426 = tpu.memref_slice %arg4[%mul3A_2, %dma_wait3A_424, %dma_wait3A_425] : memref<4096x128x128xf32, #tpu.memory_space<hbm>> -> memref<1x128x128xf32, #tpu.memory_space<hbm>>
    %dma_wait3A_427 = tpu.memref_squeeze %dma_wait3A_426 : memref<1x128x128xf32, #tpu.memory_space<hbm>> -> memref<128x128xf32, #tpu.memory_space<hbm>>
    tpu.wait_dma2 semaphore(%arg17 : memref<!tpu.dma_semaphore, #tpu.memory_space<semaphore_mem>>) src(%arg9 : memref<128x128xf32, #tpu.memory_space<vmem>>) dst(%dma_wait3A_427 : memref<128x128xf32, #tpu.memory_space<hbm>>)
    %dma_start3A_428 = arith.constant 127 : i32
    %dma_start3A_429 = arith.constant 0 : i32
    %dma_start3A_430 = tpu.memref_slice %arg5[%dma_start3A_428, %dma_start3A_429] : memref<128x128xi32, #tpu.memory_space<vmem>> -> memref<1x128xi32, #tpu.memory_space<vmem>>
    %dma_start3A_431 = tpu.memref_squeeze %dma_start3A_430 : memref<1x128xi32, #tpu.memory_space<vmem>> -> memref<128xi32, #tpu.memory_space<vmem>>
    %dma_start3A_432 = arith.constant 0 : i32
    %dma_start3A_433 = arith.constant 0 : i32
    %dma_start3A_434 = tpu.memref_slice %arg3[%dma_start3A_432, %dma_start3A_433] : memref<108192x128xf32, #tpu.memory_space<hbm>> -> memref<108192x128xf32, #tpu.memory_space<hbm>>
    tpu.enqueue_indirect_dma source(%dma_start3A_434 : memref<108192x128xf32, #tpu.memory_space<hbm>>) target(%arg9 : memref<128x128xf32, #tpu.memory_space<vmem>>) offsets(%dma_start3A_431 : memref<128xi32, #tpu.memory_space<vmem>>) semaphore(%arg13 : memref<!tpu.dma_semaphore, #tpu.memory_space<semaphore_mem>>)
    %dma_wait3A_435 = arith.constant 0 : i32
    %dma_wait3A_436 = arith.constant 0 : i32
    %dma_wait3A_437 = tpu.memref_slice %arg5[%dma_wait3A_435, %dma_wait3A_436] : memref<128x128xi32, #tpu.memory_space<vmem>> -> memref<1x128xi32, #tpu.memory_space<vmem>>
    %dma_wait3A_438 = tpu.memref_squeeze %dma_wait3A_437 : memref<1x128xi32, #tpu.memory_space<vmem>> -> memref<128xi32, #tpu.memory_space<vmem>>
    %dma_wait3A_439 = arith.constant 0 : i32
    %dma_wait3A_440 = arith.constant 0 : i32
    %dma_wait3A_441 = tpu.memref_slice %arg3[%dma_wait3A_439, %dma_wait3A_440] : memref<108192x128xf32, #tpu.memory_space<hbm>> -> memref<108192x128xf32, #tpu.memory_space<hbm>>
    tpu.wait_indirect_dma semaphore(%arg11 : memref<!tpu.dma_semaphore, #tpu.memory_space<semaphore_mem>>) src(%dma_wait3A_441 : memref<108192x128xf32, #tpu.memory_space<hbm>>) dst(%arg7 : memref<128x128xf32, #tpu.memory_space<vmem>>)
    %add3A_442 = arith.constant 125 : i32
    %add3A_443 = arith.addi %mul3A_2, %add3A_442 : i32
    %dma_start3A_444 = arith.constant 0 : i32
    %dma_start3A_445 = arith.constant 0 : i32
    %dma_start3A_446 = tpu.memref_slice %arg4[%add3A_443, %dma_start3A_444, %dma_start3A_445] : memref<4096x128x128xf32, #tpu.memory_space<hbm>> -> memref<1x128x128xf32, #tpu.memory_space<hbm>>
    %dma_start3A_447 = tpu.memref_squeeze %dma_start3A_446 : memref<1x128x128xf32, #tpu.memory_space<hbm>> -> memref<128x128xf32, #tpu.memory_space<hbm>>
    %dma_start3A_448 = arith.constant 0 : i32
    %dma_start3A_449 = arith.constant 0 : i32
    %dma_start3A_450 = tpu.memref_slice %arg4[%add3A_443, %dma_start3A_448, %dma_start3A_449] : memref<4096x128x128xf32, #tpu.memory_space<hbm>> -> memref<1x128x128xf32, #tpu.memory_space<hbm>>
    %dma_start3A_451 = tpu.memref_squeeze %dma_start3A_450 : memref<1x128x128xf32, #tpu.memory_space<hbm>> -> memref<128x128xf32, #tpu.memory_space<hbm>>
    tpu.enqueue_dma source(%arg7 : memref<128x128xf32, #tpu.memory_space<vmem>>) target(%dma_start3A_451 : memref<128x128xf32, #tpu.memory_space<hbm>>) target_semaphore(%arg15 : memref<!tpu.dma_semaphore, #tpu.memory_space<semaphore_mem>>)
    %dma_wait3A_452 = arith.constant 0 : i32
    %dma_wait3A_453 = arith.constant 0 : i32
    %dma_wait3A_454 = tpu.memref_slice %arg5[%dma_wait3A_452, %dma_wait3A_453] : memref<128x128xi32, #tpu.memory_space<vmem>> -> memref<1x128xi32, #tpu.memory_space<vmem>>
    %dma_wait3A_455 = tpu.memref_squeeze %dma_wait3A_454 : memref<1x128xi32, #tpu.memory_space<vmem>> -> memref<128xi32, #tpu.memory_space<vmem>>
    %dma_wait3A_456 = arith.constant 0 : i32
    %dma_wait3A_457 = arith.constant 0 : i32
    %dma_wait3A_458 = tpu.memref_slice %arg3[%dma_wait3A_456, %dma_wait3A_457] : memref<108192x128xf32, #tpu.memory_space<hbm>> -> memref<108192x128xf32, #tpu.memory_space<hbm>>
    tpu.wait_indirect_dma semaphore(%arg12 : memref<!tpu.dma_semaphore, #tpu.memory_space<semaphore_mem>>) src(%dma_wait3A_458 : memref<108192x128xf32, #tpu.memory_space<hbm>>) dst(%arg8 : memref<128x128xf32, #tpu.memory_space<vmem>>)
    %add3A_459 = arith.constant 126 : i32
    %add3A_460 = arith.addi %mul3A_2, %add3A_459 : i32
    %dma_start3A_461 = arith.constant 0 : i32
    %dma_start3A_462 = arith.constant 0 : i32
    %dma_start3A_463 = tpu.memref_slice %arg4[%add3A_460, %dma_start3A_461, %dma_start3A_462] : memref<4096x128x128xf32, #tpu.memory_space<hbm>> -> memref<1x128x128xf32, #tpu.memory_space<hbm>>
    %dma_start3A_464 = tpu.memref_squeeze %dma_start3A_463 : memref<1x128x128xf32, #tpu.memory_space<hbm>> -> memref<128x128xf32, #tpu.memory_space<hbm>>
    %dma_start3A_465 = arith.constant 0 : i32
    %dma_start3A_466 = arith.constant 0 : i32
    %dma_start3A_467 = tpu.memref_slice %arg4[%add3A_460, %dma_start3A_465, %dma_start3A_466] : memref<4096x128x128xf32, #tpu.memory_space<hbm>> -> memref<1x128x128xf32, #tpu.memory_space<hbm>>
    %dma_start3A_468 = tpu.memref_squeeze %dma_start3A_467 : memref<1x128x128xf32, #tpu.memory_space<hbm>> -> memref<128x128xf32, #tpu.memory_space<hbm>>
    tpu.enqueue_dma source(%arg8 : memref<128x128xf32, #tpu.memory_space<vmem>>) target(%dma_start3A_468 : memref<128x128xf32, #tpu.memory_space<hbm>>) target_semaphore(%arg16 : memref<!tpu.dma_semaphore, #tpu.memory_space<semaphore_mem>>)
    %dma_wait3A_469 = arith.constant 0 : i32
    %dma_wait3A_470 = arith.constant 0 : i32
    %dma_wait3A_471 = tpu.memref_slice %arg5[%dma_wait3A_469, %dma_wait3A_470] : memref<128x128xi32, #tpu.memory_space<vmem>> -> memref<1x128xi32, #tpu.memory_space<vmem>>
    %dma_wait3A_472 = tpu.memref_squeeze %dma_wait3A_471 : memref<1x128xi32, #tpu.memory_space<vmem>> -> memref<128xi32, #tpu.memory_space<vmem>>
    %dma_wait3A_473 = arith.constant 0 : i32
    %dma_wait3A_474 = arith.constant 0 : i32
    %dma_wait3A_475 = tpu.memref_slice %arg3[%dma_wait3A_473, %dma_wait3A_474] : memref<108192x128xf32, #tpu.memory_space<hbm>> -> memref<108192x128xf32, #tpu.memory_space<hbm>>
    tpu.wait_indirect_dma semaphore(%arg13 : memref<!tpu.dma_semaphore, #tpu.memory_space<semaphore_mem>>) src(%dma_wait3A_475 : memref<108192x128xf32, #tpu.memory_space<hbm>>) dst(%arg9 : memref<128x128xf32, #tpu.memory_space<vmem>>)
    %add3A_476 = arith.constant 127 : i32
    %add3A_477 = arith.addi %mul3A_2, %add3A_476 : i32
    %dma_start3A_478 = arith.constant 0 : i32
    %dma_start3A_479 = arith.constant 0 : i32
    %dma_start3A_480 = tpu.memref_slice %arg4[%add3A_477, %dma_start3A_478, %dma_start3A_479] : memref<4096x128x128xf32, #tpu.memory_space<hbm>> -> memref<1x128x128xf32, #tpu.memory_space<hbm>>
    %dma_start3A_481 = tpu.memref_squeeze %dma_start3A_480 : memref<1x128x128xf32, #tpu.memory_space<hbm>> -> memref<128x128xf32, #tpu.memory_space<hbm>>
    %dma_start3A_482 = arith.constant 0 : i32
    %dma_start3A_483 = arith.constant 0 : i32
    %dma_start3A_484 = tpu.memref_slice %arg4[%add3A_477, %dma_start3A_482, %dma_start3A_483] : memref<4096x128x128xf32, #tpu.memory_space<hbm>> -> memref<1x128x128xf32, #tpu.memory_space<hbm>>
    %dma_start3A_485 = tpu.memref_squeeze %dma_start3A_484 : memref<1x128x128xf32, #tpu.memory_space<hbm>> -> memref<128x128xf32, #tpu.memory_space<hbm>>
    tpu.enqueue_dma source(%arg9 : memref<128x128xf32, #tpu.memory_space<vmem>>) target(%dma_start3A_485 : memref<128x128xf32, #tpu.memory_space<hbm>>) target_semaphore(%arg17 : memref<!tpu.dma_semaphore, #tpu.memory_space<semaphore_mem>>)
    %dma_wait3A_486 = arith.constant 0 : i32
    %dma_wait3A_487 = arith.constant 0 : i32
    %dma_wait3A_488 = tpu.memref_slice %arg4[%mul3A_2, %dma_wait3A_486, %dma_wait3A_487] : memref<4096x128x128xf32, #tpu.memory_space<hbm>> -> memref<1x128x128xf32, #tpu.memory_space<hbm>>
    %dma_wait3A_489 = tpu.memref_squeeze %dma_wait3A_488 : memref<1x128x128xf32, #tpu.memory_space<hbm>> -> memref<128x128xf32, #tpu.memory_space<hbm>>
    %dma_wait3A_490 = arith.constant 0 : i32
    %dma_wait3A_491 = arith.constant 0 : i32
    %dma_wait3A_492 = tpu.memref_slice %arg4[%mul3A_2, %dma_wait3A_490, %dma_wait3A_491] : memref<4096x128x128xf32, #tpu.memory_space<hbm>> -> memref<1x128x128xf32, #tpu.memory_space<hbm>>
    %dma_wait3A_493 = tpu.memref_squeeze %dma_wait3A_492 : memref<1x128x128xf32, #tpu.memory_space<hbm>> -> memref<128x128xf32, #tpu.memory_space<hbm>>
    tpu.wait_dma2 semaphore(%arg14 : memref<!tpu.dma_semaphore, #tpu.memory_space<semaphore_mem>>) src(%arg6 : memref<128x128xf32, #tpu.memory_space<vmem>>) dst(%dma_wait3A_493 : memref<128x128xf32, #tpu.memory_space<hbm>>)
    %dma_wait3A_494 = arith.constant 0 : i32
    %dma_wait3A_495 = arith.constant 0 : i32
    %dma_wait3A_496 = tpu.memref_slice %arg4[%mul3A_2, %dma_wait3A_494, %dma_wait3A_495] : memref<4096x128x128xf32, #tpu.memory_space<hbm>> -> memref<1x128x128xf32, #tpu.memory_space<hbm>>
    %dma_wait3A_497 = tpu.memref_squeeze %dma_wait3A_496 : memref<1x128x128xf32, #tpu.memory_space<hbm>> -> memref<128x128xf32, #tpu.memory_space<hbm>>
    %dma_wait3A_498 = arith.constant 0 : i32
    %dma_wait3A_499 = arith.constant 0 : i32
    %dma_wait3A_500 = tpu.memref_slice %arg4[%mul3A_2, %dma_wait3A_498, %dma_wait3A_499] : memref<4096x128x128xf32, #tpu.memory_space<hbm>> -> memref<1x128x128xf32, #tpu.memory_space<hbm>>
    %dma_wait3A_501 = tpu.memref_squeeze %dma_wait3A_500 : memref<1x128x128xf32, #tpu.memory_space<hbm>> -> memref<128x128xf32, #tpu.memory_space<hbm>>
    tpu.wait_dma2 semaphore(%arg15 : memref<!tpu.dma_semaphore, #tpu.memory_space<semaphore_mem>>) src(%arg7 : memref<128x128xf32, #tpu.memory_space<vmem>>) dst(%dma_wait3A_501 : memref<128x128xf32, #tpu.memory_space<hbm>>)
    %dma_wait3A_502 = arith.constant 0 : i32
    %dma_wait3A_503 = arith.constant 0 : i32
    %dma_wait3A_504 = tpu.memref_slice %arg4[%mul3A_2, %dma_wait3A_502, %dma_wait3A_503] : memref<4096x128x128xf32, #tpu.memory_space<hbm>> -> memref<1x128x128xf32, #tpu.memory_space<hbm>>
    %dma_wait3A_505 = tpu.memref_squeeze %dma_wait3A_504 : memref<1x128x128xf32, #tpu.memory_space<hbm>> -> memref<128x128xf32, #tpu.memory_space<hbm>>
    %dma_wait3A_506 = arith.constant 0 : i32
    %dma_wait3A_507 = arith.constant 0 : i32
    %dma_wait3A_508 = tpu.memref_slice %arg4[%mul3A_2, %dma_wait3A_506, %dma_wait3A_507] : memref<4096x128x128xf32, #tpu.memory_space<hbm>> -> memref<1x128x128xf32, #tpu.memory_space<hbm>>
    %dma_wait3A_509 = tpu.memref_squeeze %dma_wait3A_508 : memref<1x128x128xf32, #tpu.memory_space<hbm>> -> memref<128x128xf32, #tpu.memory_space<hbm>>
    tpu.wait_dma2 semaphore(%arg16 : memref<!tpu.dma_semaphore, #tpu.memory_space<semaphore_mem>>) src(%arg8 : memref<128x128xf32, #tpu.memory_space<vmem>>) dst(%dma_wait3A_509 : memref<128x128xf32, #tpu.memory_space<hbm>>)
    %dma_wait3A_510 = arith.constant 0 : i32
    %dma_wait3A_511 = arith.constant 0 : i32
    %dma_wait3A_512 = tpu.memref_slice %arg4[%mul3A_2, %dma_wait3A_510, %dma_wait3A_511] : memref<4096x128x128xf32, #tpu.memory_space<hbm>> -> memref<1x128x128xf32, #tpu.memory_space<hbm>>
    %dma_wait3A_513 = tpu.memref_squeeze %dma_wait3A_512 : memref<1x128x128xf32, #tpu.memory_space<hbm>> -> memref<128x128xf32, #tpu.memory_space<hbm>>
    %dma_wait3A_514 = arith.constant 0 : i32
    %dma_wait3A_515 = arith.constant 0 : i32
    %dma_wait3A_516 = tpu.memref_slice %arg4[%mul3A_2, %dma_wait3A_514, %dma_wait3A_515] : memref<4096x128x128xf32, #tpu.memory_space<hbm>> -> memref<1x128x128xf32, #tpu.memory_space<hbm>>
    %dma_wait3A_517 = tpu.memref_squeeze %dma_wait3A_516 : memref<1x128x128xf32, #tpu.memory_space<hbm>> -> memref<128x128xf32, #tpu.memory_space<hbm>>
    tpu.wait_dma2 semaphore(%arg17 : memref<!tpu.dma_semaphore, #tpu.memory_space<semaphore_mem>>) src(%arg9 : memref<128x128xf32, #tpu.memory_space<vmem>>) dst(%dma_wait3A_517 : memref<128x128xf32, #tpu.memory_space<hbm>>)
    return
  }
}

module attributes {stable_mosaic.version = 14 : i64} {
  func.func @_dense_block(%arg0: i32, %arg1: memref<256x16xf32, #tpu.memory_space<vmem>>, %arg2: memref<16x128xf32, #tpu.memory_space<vmem>>, %arg3: memref<1x128xf32, #tpu.memory_space<vmem>>, %arg4: memref<256x128xf32, #tpu.memory_space<vmem>>) attributes {dimension_semantics = [#tpu.dimension_semantics<arbitrary>], iteration_bounds = array<i64: 16>, scalar_prefetch = 0 : i64, scratch_operands = 0 : i64, tpu.core_type = #tpu.core_type<tc>, window_params = [{transform_indices = @transform_0, window_bounds = array<i64: 256, 16>}, {pipeline_mode = #tpu.pipeline_mode<synchronous>, transform_indices = @transform_1, window_bounds = array<i64: 16, 128>}, {pipeline_mode = #tpu.pipeline_mode<synchronous>, transform_indices = @transform_2, window_bounds = array<i64: 1, 128>}, {transform_indices = @transform_3, window_bounds = array<i64: 256, 128>}]} {
    %get3A = arith.constant 0 : index
    %get3A_0 = arith.constant 0 : index
    %get3A_1 = vector.load %arg1[%get3A, %get3A_0] : memref<256x16xf32, #tpu.memory_space<vmem>>, vector<256x16xf32>
    %get3A_2 = arith.constant 0 : index
    %get3A_3 = arith.constant 0 : index
    %get3A_4 = vector.load %arg2[%get3A_2, %get3A_3] : memref<16x128xf32, #tpu.memory_space<vmem>>, vector<16x128xf32>
    %dot_general3A = arith.constant dense<0.000000e+00> : vector<256x128xf32>
    %dot_general3A_5 = tpu.matmul %get3A_1, %get3A_4, %dot_general3A {dimension_numbers = #tpu.dot_dimension_numbers<[1], [0], [0], [1], [0, 0, 1, 1], [], []>, transpose_lhs_hint = false} : vector<256x16xf32>, vector<16x128xf32>, vector<256x128xf32> -> vector<256x128xf32>
    %get3A_6 = arith.constant 0 : index
    %get3A_7 = arith.constant 0 : index
    %get3A_8 = vector.load %arg3[%get3A_6, %get3A_7] : memref<1x128xf32, #tpu.memory_space<vmem>>, vector<1x128xf32>
    %add3A = vector.broadcast %get3A_8 : vector<1x128xf32> to vector<256x128xf32>
    %add3A_9 = arith.addf %dot_general3A_5, %add3A : vector<256x128xf32>
    %swap3A = arith.constant 0 : index
    %swap3A_10 = arith.constant 0 : index
    %swap3A_11 = vector.load %arg4[%swap3A, %swap3A_10] : memref<256x128xf32, #tpu.memory_space<vmem>>, vector<256x128xf32>
    tpu.vector_store %arg4[%swap3A, %swap3A_10], %add3A_9 {strides = array<i32>} : memref<256x128xf32, #tpu.memory_space<vmem>>, vector<256x128xf32>,
    return
  }
  func.func @transform_0(%arg0: i32) -> (i32, i32) {
    %c0_i32 = arith.constant 0 : i32
    %c0_i32_0 = arith.constant 0 : i32
    return %arg0, %c0_i32 : i32, i32
  }
  func.func @transform_1(%arg0: i32) -> (i32, i32) {
    %c0_i32 = arith.constant 0 : i32
    %c0_i32_0 = arith.constant 0 : i32
    %c0_i32_1 = arith.constant 0 : i32
    return %c0_i32, %c0_i32_0 : i32, i32
  }
  func.func @transform_2(%arg0: i32) -> (i32, i32) {
    %c0_i32 = arith.constant 0 : i32
    %c0_i32_0 = arith.constant 0 : i32
    %c0_i32_1 = arith.constant 0 : i32
    return %c0_i32, %c0_i32_0 : i32, i32
  }
  func.func @transform_3(%arg0: i32) -> (i32, i32) {
    %c0_i32 = arith.constant 0 : i32
    %c0_i32_0 = arith.constant 0 : i32
    return %arg0, %c0_i32 : i32, i32
  }
}

</mosaic_0001>

<sc_bundles>
// kernel: kernel.4.cloned.1.call-start
scs
__scs_entry_jumppad:
0x0: {  	(pc) =	sbr.rel $0x88, $3  }
0x1: {  	(tag) =	ssettag $0x0;
	lr =	simm.s32 $0x1  }
0x2: {  	[smem:$0x3F99] =	sst lr;
	_ =	strace $0xD0000000  }
0x3: {  	_ = 	snop  }
0x4: {  	_ = 	snop  }
0x5: {  	_ = 	snop  }
0x6: {  	_ = 	snop  }
0x7: {  	_ = 	snop  }
__scs_overlays_trampoline_lowered:
0x8: {  	[smem:$0x3FA8] =	sst s0  }
0x9: {  	[smem:$0x3FA9] =	sst s1  }
0xa: {  	[smem:$0x3FAA] =	sst s2  }
0xb: {  	[smem:$0x3FAB] =	sst s3  }
0xc: {  	[smem:$0x3FAC] =	sst s4  }
0xd: {  	[smem:$0x3FAD] =	sst s5  }
0xe: {  	[smem:$0x3FAE] =	sst s6  }
0xf: {  	[smem:$0x3FAF] =	sst s7  }
0x10: {  	[smem:$0x3FB0] =	sst s8  }
0x11: {  	[smem:$0x3FB1] =	sst s9;
	s0 =	simm.s32 @!p0 $0x0  }
0x12: {  	s1 =	sld [smem:$0x3F97];
	s0 =	simm.s32 @p0 $0x1  }
0x13: {  	[smem:$0x3FB2] =	sst s0;
	s0 =	simm.s32 @!p1 $0x0  }
0x14: {  	s2 =	sld [smem:$0x3F96];
	s0 =	simm.s32 @p1 $0x1  }
0x15: {  	[smem:$0x3FB3] =	sst s0;
	s0 =	simm.s32 @!p2 $0x0  }
0x16: {  	s3 =	sld [smem:$0x3FDB];
	s0 =	simm.s32 @p2 $0x1  }
0x17: {  	s4 =	simm.s32 $0x1BF5;
	[smem:$0x3FB5] =	sst s0  }
0x18: {  	s0 =	sld [smem:$0x3F98];
	_ =	swait.ge [sflag:s4], $0x0  }
0x19: {  	s7 =	sld [smem:$0x3F99]  }
0x1a: {  	s8 =	sadd.s32 $0xFFFFE003, lr  }
0x1b: {  	s9 =	sadd.s32 $0xFFFFFEF7, lr;
	s5 =	simm.s32 $0xFFFFFFFF;
	p2 =	slt.u32 s8, $0xFFFFF086  }
0x1c: {  	p1 =	slt.u32 s9, $0xF7A;
	s5 =	simm.s32 @!p2 $0x0  }
0x1d: {  	s5 =	simm.s32 @p1 $0x1;
	p0 =	seq.s32 s7, s2  }
0x1e: {  	s7 =	smul.u32 @!p0 $0xF7A, s2;
	p2 =	seq.s32 @!p0 s5, $0x0  }
0x1f: {  	s9 =	smul.u32 $0xF7A, s1;
	s8 =	simm.s32 @!p0 $0x1BF5;
	p2 =	por !p2, p0  }
0x20: {  	[sflag:s8] =	ssyncset.s32 @!p0 $0xFFFFF086;
	s6 =	sadd.s32 @!p0 s3, s7;
	s7 =	simm.s32 @!p0 $0x108  }
0x21: {  	s3 =	sadd.s32 s3, s9;
	s6 =	sadd.s32 @!p0 $0x88, s6;
	s7 =	simm.s32 @p2 $0x1082  }
0x22: {  	[simem:s7], [sflag:s8] =	dma.local @!p0 [hbm:s6], $0xF7A  }
0x23: {  	s9 =	sor.u32 $0xD0000000, s2;
	s6 =	simm.s32 $0x108;
	_ =	swait.ge @!p0 [sflag:s8], $0x0  }
0x24: {  	s3 =	sadd.s32 $0x88, s3;
	s6 =	simm.s32 @!p1 $0x1082;
	[sflag:s4] =	ssyncset.s32 $0xFFFFF086  }
0x25: {  	[simem:s6], [sflag:s4] =	dma.local [hbm:s3], $0xF7A  }
0x26: {  	[smem:$0x3F99] =	sst s1;
	(tag) =	ssettag s2;
	_ =	strace s9  }
0x27: {  	s1 =	sld [smem:$0x3FA9]  }
0x28: {  	s2 =	sld [smem:$0x3FAA]  }
0x29: {  	s4 =	sld [smem:$0x3FAC]  }
0x2a: {  	p0 =	seq.s32 s5, $0x0;
	s5 =	sld [smem:$0x3FAD]  }
0x2b: {  	s6 =	sld [smem:$0x3FAE]  }
0x2c: {  	s7 =	sld [smem:$0x3FAF]  }
0x2d: {  	s3 =	simm.s32 $0x108;
	s8 =	sld [smem:$0x3FB0]  }
0x2e: {  	s3 =	simm.s32 @!p0 $0x1082;
	s9 =	sld [smem:$0x3FB1]  }
0x2f: {  	lr =	sadd.s32 s0, s3;
	s0 =	sld [smem:$0x3FA8]  }
0x30: {  	s3 =	sld [smem:$0x3FAB]  }
0x31: {  	[smem:$0x3FB4] =	sst s10  }
0x32: {  	s10 =	sld [smem:$0x3FB2];
	_ =	sdelay $0x3  }
0x33: {  	p0 =	seq.s32 s10, $0x1;
	s10 =	sld [smem:$0x3FB4];
	_ =	sdelay $0x3  }
0x34: {  	[smem:$0x3FB4] =	sst s10  }
0x35: {  	s10 =	sld [smem:$0x3FB3];
	_ =	sdelay $0x3  }
0x36: {  	p1 =	seq.s32 s10, $0x1;
	s10 =	sld [smem:$0x3FB4];
	_ =	sdelay $0x3  }
0x37: {  	[smem:$0x3FB4] =	sst s10  }
0x38: {  	s10 =	sld [smem:$0x3FB5]  }
0x39: {  	_ = 	snop;
	(pc) =	sbr.ind lr, $3  }
0x3a: {  	_ = 	snop  }
0x3b: {  	_ = 	snop  }
0x3c: {  	p2 =	seq.s32 s10, $0x1;
	s10 =	sld [smem:$0x3FB4]  }
0x3d: {  	_ =	shalt  }
0x3e: {  	_ =	shalt  }
0x3f: {  	_ =	shalt  }
0x40: {  	_ =	shalt  }
0x41: {  	_ =	shalt  }
0x42: {  	_ =	shalt  }
0x43: {  	_ =	shalt  }
0x44: {  	_ =	shalt  }
0x45: {  	_ =	shalt  }
0x46: {  	_ =	shalt  }
0x47: {  	_ =	shalt  }
0x48: {  	_ =	shalt  }
0x49: {  	_ =	shalt  }
0x4a: {  	_ =	shalt  }
0x4b: {  	_ =	shalt  }
0x4c: {  	_ =	shalt  }
0x4d: {  	_ =	shalt  }
0x4e: {  	_ =	shalt  }
0x4f: {  	_ =	shalt  }
0x50: {  	_ =	shalt  }
0x51: {  	_ =	shalt  }
0x52: {  	_ =	shalt  }
0x53: {  	_ =	shalt  }
0x54: {  	_ =	shalt  }
0x55: {  	_ =	shalt  }
0x56: {  	_ =	shalt  }
0x57: {  	_ =	shalt  }
0x58: {  	_ =	shalt  }
0x59: {  	_ =	shalt  }
0x5a: {  	_ =	shalt  }
0x5b: {  	_ =	shalt  }
0x5c: {  	_ =	shalt  }
0x5d: {  	_ =	shalt  }
0x5e: {  	_ =	shalt  }
0x5f: {  	_ =	shalt  }
0x60: {  	_ =	shalt  }
0x61: {  	_ =	shalt  }
0x62: {  	_ =	shalt  }
0x63: {  	_ =	shalt  }
0x64: {  	_ =	shalt  }
0x65: {  	_ =	shalt  }
0x66: {  	_ =	shalt  }
0x67: {  	_ =	shalt  }
0x68: {  	_ =	shalt  }
0x69: {  	_ =	shalt  }
0x6a: {  	_ =	shalt  }
0x6b: {  	_ =	shalt  }
0x6c: {  	_ =	shalt  }
0x6d: {  	_ =	shalt  }
0x6e: {  	_ =	shalt  }
0x6f: {  	_ =	shalt  }
0x70: {  	_ =	shalt  }
0x71: {  	_ =	shalt  }
0x72: {  	_ =	shalt  }
0x73: {  	_ =	shalt  }
0x74: {  	_ =	shalt  }
0x75: {  	_ =	shalt  }
0x76: {  	_ =	shalt  }
0x77: {  	_ =	shalt  }
0x78: {  	_ =	shalt  }
0x79: {  	_ =	shalt  }
0x7a: {  	_ =	shalt  }
0x7b: {  	_ =	shalt  }
0x7c: {  	_ =	shalt  }
0x7d: {  	_ =	shalt  }
0x7e: {  	_ =	shalt  }
0x7f: {  	_ =	shalt  }
0x80: {  	_ =	shalt  }
0x81: {  	_ =	shalt  }
0x82: {  	_ =	shalt  }
0x83: {  	_ =	shalt  }
0x84: {  	_ =	shalt  }
0x85: {  	_ =	shalt  }
0x86: {  	_ =	shalt  }
0x87: {  	_ =	shalt  }
.Lfunc_end0:
.L_simem_size_0:
called_computation.1_lowered:
.L_overlay_start_0:
0x88: {  	s2 =	sld [smem:$0x3FD9]  }
0x89: {  	s3 =	sld [smem:$0x3FFE];
	_ =	sdelay $0x1  }
0x8a: {  	s1 =	srdreg.scid  }
0x8b: {  	s0 =	sand.u32 $0x1, s1  }
0x8c: {  	s17 =	sshll.u32 s0, $0xA;
	s2 =	sadd.s32 s3, s2  }
0x8d: {  	s2 =	sadd.s32 s2, s17  }
0x8e: {  	[smem:$0x3FC0] =	sst s2  }
0x8f: {  	_ = 	snop  }
0x90: {  	s2 =	sld [smem:$0x3FD0];
	(tm) =	ssettm $0x1  }
0x91: {  	s18 =	sld [smem:$0x3FFB];
	_ =	sdelay $0x3  }
0x92: {  	_ =	strace s18  }
0x93: {  	s3 =	sld [smem:$0x3FFC];
	_ =	sdelay $0x3  }
0x94: {  	_ =	strace s3  }
0x95: {  	s3 =	sld [smem:$0x3FFD];
	_ =	sdelay $0x3  }
0x96: {  	_ =	strace s3  }
0x97: {  	_ =	strace $0x8FFFFFFF  }
0x98: {  	s19 =	sld [smem:$0x3FDB];
	_ =	sdelay $0x1  }
0x99: {  	s4 =	simm.s32 $_scs_section_size  }
0x9a: {  	s5 =	simm.s32 $_size__tile_overlayer_lowered;
	s6 =	simm.s32 $_tile_overlayer_lowered  }
0x9b: {  	s22 =	simm.s32 $0x1BFF;
	s21 =	sshll.u32 s6, $0x1;
	s3 =	sadd.s32 s4, s19  }
0x9c: {  	s7 =	simm.s32 $0x0;
	s20 =	sshll.u32 s5, $0x1;
	s5 =	sadd.s32 s21, s3  }
0x9d: {  	[timem:s7], [sflag:s22] =	dma.local [hbm:s5], s20  }
0x9e: {  	_ =	swait.ge [sflag:s22], s20  }
0x9f: {  	s4 =	ssub.s32 $0x0, s20;
	[sflag:s22] =	ssyncset.done $0x0  }
0xa0: {  	[sflag:s22] =	ssyncadd.s32 s4;
	_ =	sdelay $0x1  }
0xa1: {  	s23 =	simm.s32 $0x1B8B  }
0xa2: {  	_ =	swait.ge [sflag:s23], $0x1  }
0xa3: {  	[sflag:s23] =	ssyncset.done $0x0  }
0xa4: {  	s25 =	simm.s32 $0x1B8E;
	s24 =	sld [smem:$0x3FFE];
	[sflag:s23] =	ssyncadd.s32 $0xFFFFFFFF  }
0xa5: {  	s26 =	simm.s32 $execute0_lowered;
	[smem:$0x3FD2] =	sst s25  }
0xa6: {  	s5 =	sshll.u32 s26, $0x1;
	_ =	strace $0x80000046;
	[dreg:$0x1] =	wrdreg $0xFFFFFFFF  }
0xa7: {  	s28 =	simm.s32 $_size_execute0_lowered;
	s3 =	sadd.s32 s3, s5;
	[dreg:$0x0] =	wrdreg $0x0  }
0xa8: {  	s5 =	sshll.u32 s28, $0x1;
	[dreg:$0x2] =	wrdreg s3  }
0xa9: {  	[dreg:$0x3] =	wrdreg s5  }
0xaa: {  	[dreg:$0x4] =	wrdreg $0xC0  }
0xab: {  	_ =	task [dreg:s7], $0x5FFFF  }
0xac: {  	[dreg:$0x1] =	wrdreg $0xFFFFFFFF  }
0xad: {  	[dreg:$0x0] =	wrdreg $0x60  }
0xae: {  	[dreg:$0x2] =	wrdreg s24  }
0xaf: {  	[dreg:$0x3] =	wrdreg s2  }
0xb0: {  	[dreg:$0x4] =	wrdreg $0x9  }
0xb1: {  	_ =	task.clear_ibuf [dreg:s7], $0x5FFFF;
	_ =	strace $0x90000046  }
0xb2: {  	s29 =	simm.s32 $0x9;
	_ =	strace $0x80000048  }
0xb3: {  	_ =	swait.ge [sflag:s29], $0x1  }
0xb4: {  	[sflag:s29] =	ssyncadd.s32 $0xFFFFFFFF  }
0xb5: {  	_ =	strace $0x90000048  }
0xb6: {  	_ =	sfence  }
0xb7: {  	s30 =	sld [smem:$0x0];
	_ =	sdelay $0x2  }
0xb8: {  	s31 =	sshll.u32 s1, $0xD;
	s1 =	sshrl.u32 s1, $0x2  }
0xb9: {  	s3 =	sand.u32 $0x4000, s31;
	s1 =	sadd.s32 s1, s30  }
0xba: {  	s0 =	sor.u32 s3, s0;
	s1 =	sshll.u32 s1, $0x11  }
0xbb: {  	s0 =	sor.u32 s1, s0  }
0xbc: {  	s0 =	sadd.s32 $0x8F2B, s0  }
0xbd: {  	[sflag:s0] =	ssyncadd.remote.s32 $0x1  }
0xbe: {  	_ =	sfence.sel $0xFFFF  }
0xbf: {  	[dreg:$0x0] =	wrdreg $0xFFFFFFFF;
	(pc) =	sbr.abs _section_cstart, $3  }
0xc0: {  	[dreg:$0x1] =	wrdreg $0xFFFFFFFF  }
0xc1: {  	_ =	task.clear_ibuf [dreg:s7], $0x2FFFF;
	_ =	strace $0x9FFFFFFF  }
0xc2: {  	(tm) =	ssettm $0x7FFFFFFF  }
0xc3: {  	_ =	shalt  }
tec
execute0_lowered:
.L_overlay_start_1:
0x0: {  	(tag) =	ssettag $0x1  }
0x1: {  	s0 =	rddreg [dreg:$0x0]  }
0x2: {  	s2 =	rddreg [dreg:$0x1]  }
0x3: {  	s1 =	srdreg.scid;
	s9 =	stileid.u32;
	s3 =	simm.s32 $0x0  }
0x4: {  	s29 =	simm.s32 $0xC000;
	s30 =	simm.s32 $0x1;
	s28 =	simm.s32 $0x5  }
0x5: {  	s31 =	simm.s32 $0x3;
	s1 =	sand.u32 $0x1, s1;
	s4 =	sshll.u32 s9, $0x8  }
0x6: {  	[smem:$0x7FF] =	sst s3;
	s7 =	sadd.s32 $0x11C00, s0;
	s5 =	sshll.u32 s1, $0x7  }
0x7: {  	s26 =	sshll.u32 s9, $0x13;
	s9 =	simm.s32 $0x0;
	s4 =	sor.u32 s5, s4  }
0x8: {  	_ =	strace $0x80000047;
	s6 =	ssub.s32 $0x2, s1;
	s5 =	sshll.u32 s4, $0x4  }
0x9: {  	s1 =	sshll.u32 s1, $0x12;
	s4 =	sshll.u32 s4, $0xB;
	s0 =	sadd.s32 s5, s0  }
0xa: {  	s8 =	sshrl.u32 s6, $0x1;
	s4 =	sadd.s32 s7, s4;
	s0 =	sadd.s32 $0x1C00, s0  }
0xb: {  	s13 =	ssub.s32 s6, s8;
	s18 =	sadd.s32 $0x800, s4;
	[dreg:$0x3] =	wrdreg s0  }
0xc: {  	s6 =	simm.s32 $0x4;
	s19 =	sadd.s32 $0x1000, s4;
	[dreg:$0x4] =	wrdreg s18  }
0xd: {  	s8 =	simm.s32 $0x8;
	s20 =	sadd.s32 $0x1800, s4;
	[dreg:$0x5] =	wrdreg s19  }
0xe: {  	s5 =	simm.s32 $0x6;
	s21 =	sadd.s32 $0x2000, s4;
	[dreg:$0x6] =	wrdreg s20  }
0xf: {  	s22 =	sadd.s32 $0x2800, s4;
	s23 =	sadd.s32 $0x3000, s4;
	[dreg:$0x7] =	wrdreg s21  }
0x10: {  	s24 =	sadd.s32 $0x3800, s4;
	s25 =	sadd.s32 $0x3C000, s4;
	[dreg:$0x8] =	wrdreg s22  }
0x11: {  	s14 =	sadd.s32 $0x3C800, s4;
	s15 =	sadd.s32 $0x3D000, s4;
	[dreg:$0x9] =	wrdreg s23  }
0x12: {  	s16 =	sadd.s32 $0x3D800, s4;
	s17 =	sadd.s32 $0x3E000, s4;
	[dreg:$0xa] =	wrdreg s24  }
0x13: {  	[dreg:$0xb] =	wrdreg s25;
	s18 =	sadd.s32 $0x3E800, s4;
	s19 =	sadd.s32 $0x3F000, s4  }
0x14: {  	s0 =	sadd.s32 s26, s7;
	s20 =	sadd.s32 $0x3F800, s4;
	s21 =	smax.u32 s13, $0x1  }
0x15: {  	s23 =	simm.s32 $0x9;
	s24 =	simm.s32 $0x80;
	s25 =	simm.s32 $0x4000  }
0x16: {  	s26 =	simm.s32 $0x8000;
	s7 =	simm.s32 $0x7;
	s0 =	sadd.s32 s1, s0  }
0x17: {  	s1 =	simm.s32 $0x2;
	s22 =	sadd.s32 $0x4000, s0;
	s0 =	simm.s32 $0x10000  }
.LBB2_1:
0x18: {  	s10 =	rddreg [dreg:$0x3]  }
0x19: {  	[tilespmem:s3], [sflag:$0x9] =	stream.linear.gather [hbm4b:s10+s3], $0x4000, $0x38;
	[tilespmem:$0x14000] =	vst v63  }
0x1a: {  	_ =	swait.ge [sflag:s23], $0x4000  }
0x1b: {  	[sflag:s23] =	ssyncset.done $0x0  }
0x1c: {  	[sflag:s23] =	ssyncadd.s32 $0xFFFFC000  }
0x1d: {  	[tilespmem:s25], [sflag:$0x1] =	stream.indirect.gather [hbm4b:s2+s24], $0x80, s3, s24, $0xb8;
	[tilespmem:$0x14000] =	vst v63  }
0x1e: {  	_ = 	snop  }
0x1f: {  	[tilespmem:s26], [sflag:$0x2] =	stream.indirect.gather [hbm4b:s2+s24], $0x80, s24, s24, $0xb8;
	[tilespmem:$0x14000] =	vst v63  }
0x20: {  	s11 =	simm.s32 $0x100  }
0x21: {  	[tilespmem:s29], [sflag:$0x3] =	stream.indirect.gather [hbm4b:s2+s24], $0x80, s11, s24, $0xb8;
	[tilespmem:$0x14000] =	vst v63  }
0x22: {  	_ =	swait.ge [sflag:s30], $0x4000  }
0x23: {  	[sflag:s30] =	ssyncset.done $0x0  }
0x24: {  	[sflag:s30] =	ssyncadd.s32 $0xFFFFC000  }
0x25: {  	[hbm4b:s4+s3] =	stream.linear.scatter [tilespmem:s25], [sflag:$0x5], $0x4000, $0x38;
	[tilespmem:$0x14000] =	vst v63  }
0x26: {  	s12 =	simm.s32 $0x180  }
0x27: {  	[tilespmem:s0], [sflag:$0x4] =	stream.indirect.gather [hbm4b:s2+s24], $0x80, s12, s24, $0xb8;
	[tilespmem:$0x14000] =	vst v63  }
0x28: {  	_ =	swait.ge [sflag:s1], $0x4000  }
0x29: {  	[sflag:s1] =	ssyncset.done $0x0  }
0x2a: {  	s13 =	rddreg [dreg:$0x4];
	[sflag:s1] =	ssyncadd.s32 $0xFFFFC000  }
0x2b: {  	[hbm4b:s13+s3] =	stream.linear.scatter [tilespmem:s26], [sflag:$0x6], $0x4000, $0x38;
	[tilespmem:$0x14000] =	vst v63  }
0x2c: {  	_ =	swait.ge [sflag:s28], $0x4000  }
0x2d: {  	[sflag:s28] =	ssyncset.done $0x0  }
0x2e: {  	s11 =	simm.s32 $0x200;
	[sflag:s28] =	ssyncadd.s32 $0xFFFFC000  }
0x2f: {  	[tilespmem:s25], [sflag:$0x1] =	stream.indirect.gather [hbm4b:s2+s24], $0x80, s11, s24, $0xb8;
	[tilespmem:$0x14000] =	vst v63  }
0x30: {  	_ =	swait.ge [sflag:s31], $0x4000  }
0x31: {  	[sflag:s31] =	ssyncset.done $0x0  }
0x32: {  	s12 =	rddreg [dreg:$0x5];
	[sflag:s31] =	ssyncadd.s32 $0xFFFFC000  }
0x33: {  	[hbm4b:s12+s3] =	stream.linear.scatter [tilespmem:s29], [sflag:$0x7], $0x4000, $0x38;
	[tilespmem:$0x14000] =	vst v63  }
0x34: {  	_ =	swait.ge [sflag:s5], $0x4000  }
0x35: {  	[sflag:s5] =	ssyncset.done $0x0  }
0x36: {  	s13 =	simm.s32 $0x280;
	[sflag:s5] =	ssyncadd.s32 $0xFFFFC000  }
0x37: {  	[tilespmem:s26], [sflag:$0x2] =	stream.indirect.gather [hbm4b:s2+s24], $0x80, s13, s24, $0xb8;
	[tilespmem:$0x14000] =	vst v63  }
0x38: {  	_ =	swait.ge [sflag:s6], $0x4000  }
0x39: {  	[sflag:s6] =	ssyncset.done $0x0  }
0x3a: {  	s11 =	rddreg [dreg:$0x6];
	[sflag:s6] =	ssyncadd.s32 $0xFFFFC000  }
0x3b: {  	[hbm4b:s11+s3] =	stream.linear.scatter [tilespmem:s0], [sflag:$0x8], $0x4000, $0x38;
	[tilespmem:$0x14000] =	vst v63  }
0x3c: {  	_ =	swait.ge [sflag:s7], $0x4000  }
0x3d: {  	[sflag:s7] =	ssyncset.done $0x0  }
0x3e: {  	s12 =	simm.s32 $0x300;
	[sflag:s7] =	ssyncadd.s32 $0xFFFFC000  }
0x3f: {  	[tilespmem:s29], [sflag:$0x3] =	stream.indirect.gather [hbm4b:s2+s24], $0x80, s12, s24, $0xb8;
	[tilespmem:$0x14000] =	vst v63  }
0x40: {  	_ =	swait.ge [sflag:s30], $0x4000  }
0x41: {  	[sflag:s30] =	ssyncset.done $0x0  }
0x42: {  	s13 =	rddreg [dreg:$0x7];
	[sflag:s30] =	ssyncadd.s32 $0xFFFFC000  }
0x43: {  	[hbm4b:s13+s3] =	stream.linear.scatter [tilespmem:s25], [sflag:$0x5], $0x4000, $0x38;
	[tilespmem:$0x14000] =	vst v63  }
0x44: {  	_ =	swait.ge [sflag:s8], $0x4000  }
0x45: {  	[sflag:s8] =	ssyncset.done $0x0  }
0x46: {  	s11 =	simm.s32 $0x380;
	[sflag:s8] =	ssyncadd.s32 $0xFFFFC000  }
0x47: {  	[tilespmem:s0], [sflag:$0x4] =	stream.indirect.gather [hbm4b:s2+s24], $0x80, s11, s24, $0xb8;
	[tilespmem:$0x14000] =	vst v63  }
0x48: {  	_ =	swait.ge [sflag:s1], $0x4000  }
0x49: {  	[sflag:s1] =	ssyncset.done $0x0  }
0x4a: {  	s12 =	rddreg [dreg:$0x8];
	[sflag:s1] =	ssyncadd.s32 $0xFFFFC000  }
0x4b: {  	[hbm4b:s12+s3] =	stream.linear.scatter [tilespmem:s26], [sflag:$0x6], $0x4000, $0x38;
	[tilespmem:$0x14000] =	vst v63  }
0x4c: {  	_ =	swait.ge [sflag:s28], $0x4000  }
0x4d: {  	[sflag:s28] =	ssyncset.done $0x0  }
0x4e: {  	s13 =	simm.s32 $0x400;
	[sflag:s28] =	ssyncadd.s32 $0xFFFFC000  }
0x4f: {  	[tilespmem:s25], [sflag:$0x1] =	stream.indirect.gather [hbm4b:s2+s24], $0x80, s13, s24, $0xb8;
	[tilespmem:$0x14000] =	vst v63  }
0x50: {  	_ =	swait.ge [sflag:s31], $0x4000  }
0x51: {  	[sflag:s31] =	ssyncset.done $0x0  }
0x52: {  	s11 =	rddreg [dreg:$0x9];
	[sflag:s31] =	ssyncadd.s32 $0xFFFFC000  }
0x53: {  	[hbm4b:s11+s3] =	stream.linear.scatter [tilespmem:s29], [sflag:$0x7], $0x4000, $0x38;
	[tilespmem:$0x14000] =	vst v63  }
0x54: {  	_ =	swait.ge [sflag:s5], $0x4000  }
0x55: {  	[sflag:s5] =	ssyncset.done $0x0  }
0x56: {  	s12 =	simm.s32 $0x480;
	[sflag:s5] =	ssyncadd.s32 $0xFFFFC000  }
0x57: {  	[tilespmem:s26], [sflag:$0x2] =	stream.indirect.gather [hbm4b:s2+s24], $0x80, s12, s24, $0xb8;
	[tilespmem:$0x14000] =	vst v63  }
0x58: {  	_ =	swait.ge [sflag:s6], $0x4000  }
0x59: {  	[sflag:s6] =	ssyncset.done $0x0  }
0x5a: {  	s13 =	rddreg [dreg:$0xa];
	[sflag:s6] =	ssyncadd.s32 $0xFFFFC000  }
0x5b: {  	[hbm4b:s13+s3] =	stream.linear.scatter [tilespmem:s0], [sflag:$0x8], $0x4000, $0x38;
	[tilespmem:$0x14000] =	vst v63  }
0x5c: {  	_ =	swait.ge [sflag:s7], $0x4000  }
0x5d: {  	[sflag:s7] =	ssyncset.done $0x0  }
0x5e: {  	s11 =	simm.s32 $0x500;
	[sflag:s7] =	ssyncadd.s32 $0xFFFFC000  }
0x5f: {  	[tilespmem:s29], [sflag:$0x3] =	stream.indirect.gather [hbm4b:s2+s24], $0x80, s11, s24, $0xb8;
	[tilespmem:$0x14000] =	vst v63  }
0x60: {  	_ =	swait.ge [sflag:s30], $0x4000  }
0x61: {  	[sflag:s30] =	ssyncset.done $0x0  }
0x62: {  	[sflag:s30] =	ssyncadd.s32 $0xFFFFC000  }
0x63: {  	[hbm4b:s22+s3] =	stream.linear.scatter [tilespmem:s25], [sflag:$0x5], $0x4000, $0x38;
	[tilespmem:$0x14000] =	vst v63  }
0x64: {  	_ =	swait.ge [sflag:s8], $0x4000  }
0x65: {  	[sflag:s8] =	ssyncset.done $0x0  }
0x66: {  	s12 =	simm.s32 $0x580;
	[sflag:s8] =	ssyncadd.s32 $0xFFFFC000  }
0x67: {  	[tilespmem:s0], [sflag:$0x4] =	stream.indirect.gather [hbm4b:s2+s24], $0x80, s12, s24, $0xb8;
	[tilespmem:$0x14000] =	vst v63  }
0x68: {  	_ =	swait.ge [sflag:s1], $0x4000  }
0x69: {  	[sflag:s1] =	ssyncset.done $0x0  }
0x6a: {  	s13 =	sadd.s32 $0x800, s22;
	[sflag:s1] =	ssyncadd.s32 $0xFFFFC000  }
0x6b: {  	[hbm4b:s13+s3] =	stream.linear.scatter [tilespmem:s26], [sflag:$0x6], $0x4000, $0x38;
	[tilespmem:$0x14000] =	vst v63  }
0x6c: {  	_ =	swait.ge [sflag:s28], $0x4000  }
0x6d: {  	[sflag:s28] =	ssyncset.done $0x0  }
0x6e: {  	s11 =	simm.s32 $0x600;
	[sflag:s28] =	ssyncadd.s32 $0xFFFFC000  }
0x6f: {  	[tilespmem:s25], [sflag:$0x1] =	stream.indirect.gather [hbm4b:s2+s24], $0x80, s11, s24, $0xb8;
	[tilespmem:$0x14000] =	vst v63  }
0x70: {  	_ =	swait.ge [sflag:s31], $0x4000  }
0x71: {  	[sflag:s31] =	ssyncset.done $0x0  }
0x72: {  	s12 =	sadd.s32 $0x1000, s22;
	[sflag:s31] =	ssyncadd.s32 $0xFFFFC000  }
0x73: {  	[hbm4b:s12+s3] =	stream.linear.scatter [tilespmem:s29], [sflag:$0x7], $0x4000, $0x38;
	[tilespmem:$0x14000] =	vst v63  }
0x74: {  	_ =	swait.ge [sflag:s5], $0x4000  }
0x75: {  	[sflag:s5] =	ssyncset.done $0x0  }
0x76: {  	s13 =	simm.s32 $0x680;
	[sflag:s5] =	ssyncadd.s32 $0xFFFFC000  }
0x77: {  	[tilespmem:s26], [sflag:$0x2] =	stream.indirect.gather [hbm4b:s2+s24], $0x80, s13, s24, $0xb8;
	[tilespmem:$0x14000] =	vst v63  }
0x78: {  	_ =	swait.ge [sflag:s6], $0x4000  }
0x79: {  	[sflag:s6] =	ssyncset.done $0x0  }
0x7a: {  	s11 =	sadd.s32 $0x1800, s22;
	[sflag:s6] =	ssyncadd.s32 $0xFFFFC000  }
0x7b: {  	[hbm4b:s11+s3] =	stream.linear.scatter [tilespmem:s0], [sflag:$0x8], $0x4000, $0x38;
	[tilespmem:$0x14000] =	vst v63  }
0x7c: {  	_ =	swait.ge [sflag:s7], $0x4000  }
0x7d: {  	[sflag:s7] =	ssyncset.done $0x0  }
0x7e: {  	s12 =	simm.s32 $0x700;
	[sflag:s7] =	ssyncadd.s32 $0xFFFFC000  }
0x7f: {  	[tilespmem:s29], [sflag:$0x3] =	stream.indirect.gather [hbm4b:s2+s24], $0x80, s12, s24, $0xb8;
	[tilespmem:$0x14000] =	vst v63  }
0x80: {  	_ =	swait.ge [sflag:s30], $0x4000  }
0x81: {  	[sflag:s30] =	ssyncset.done $0x0  }
0x82: {  	s13 =	sadd.s32 $0x2000, s22;
	[sflag:s30] =	ssyncadd.s32 $0xFFFFC000  }
0x83: {  	[hbm4b:s13+s3] =	stream.linear.scatter [tilespmem:s25], [sflag:$0x5], $0x4000, $0x38;
	[tilespmem:$0x14000] =	vst v63  }
0x84: {  	_ =	swait.ge [sflag:s8], $0x4000  }
0x85: {  	[sflag:s8] =	ssyncset.done $0x0  }
0x86: {  	s11 =	simm.s32 $0x780;
	[sflag:s8] =	ssyncadd.s32 $0xFFFFC000  }
0x87: {  	[tilespmem:s0], [sflag:$0x4] =	stream.indirect.gather [hbm4b:s2+s24], $0x80, s11, s24, $0xb8;
	[tilespmem:$0x14000] =	vst v63  }
0x88: {  	_ =	swait.ge [sflag:s1], $0x4000  }
0x89: {  	[sflag:s1] =	ssyncset.done $0x0  }
0x8a: {  	s12 =	sadd.s32 $0x2800, s22;
	[sflag:s1] =	ssyncadd.s32 $0xFFFFC000  }
0x8b: {  	[hbm4b:s12+s3] =	stream.linear.scatter [tilespmem:s26], [sflag:$0x6], $0x4000, $0x38;
	[tilespmem:$0x14000] =	vst v63  }
0x8c: {  	_ =	swait.ge [sflag:s28], $0x4000  }
0x8d: {  	[sflag:s28] =	ssyncset.done $0x0  }
0x8e: {  	s13 =	simm.s32 $0x800;
	[sflag:s28] =	ssyncadd.s32 $0xFFFFC000  }
0x8f: {  	[tilespmem:s25], [sflag:$0x1] =	stream.indirect.gather [hbm4b:s2+s24], $0x80, s13, s24, $0xb8;
	[tilespmem:$0x14000] =	vst v63  }
0x90: {  	_ =	swait.ge [sflag:s31], $0x4000  }
0x91: {  	[sflag:s31] =	ssyncset.done $0x0  }
0x92: {  	s11 =	sadd.s32 $0x3000, s22;
	[sflag:s31] =	ssyncadd.s32 $0xFFFFC000  }
0x93: {  	[hbm4b:s11+s3] =	stream.linear.scatter [tilespmem:s29], [sflag:$0x7], $0x4000, $0x38;
	[tilespmem:$0x14000] =	vst v63  }
0x94: {  	_ =	swait.ge [sflag:s5], $0x4000  }
0x95: {  	[sflag:s5] =	ssyncset.done $0x0  }
0x96: {  	s12 =	simm.s32 $0x880;
	[sflag:s5] =	ssyncadd.s32 $0xFFFFC000  }
0x97: {  	[tilespmem:s26], [sflag:$0x2] =	stream.indirect.gather [hbm4b:s2+s24], $0x80, s12, s24, $0xb8;
	[tilespmem:$0x14000] =	vst v63  }
0x98: {  	_ =	swait.ge [sflag:s6], $0x4000  }
0x99: {  	[sflag:s6] =	ssyncset.done $0x0  }
0x9a: {  	s13 =	sadd.s32 $0x3800, s22;
	[sflag:s6] =	ssyncadd.s32 $0xFFFFC000  }
0x9b: {  	[hbm4b:s13+s3] =	stream.linear.scatter [tilespmem:s0], [sflag:$0x8], $0x4000, $0x38;
	[tilespmem:$0x14000] =	vst v63  }
0x9c: {  	_ =	swait.ge [sflag:s7], $0x4000  }
0x9d: {  	s10 =	simm.s32 $0x1000;
	[sflag:s7] =	ssyncset.done $0x0  }
0x9e: {  	s11 =	sadd.s32 $0x4000, s22;
	s12 =	simm.s32 $0x900;
	[sflag:s7] =	ssyncadd.s32 $0xFFFFC000  }
.LBB2_2:
0x9f: {  	[tilespmem:s29], [sflag:$0x3] =	stream.indirect.gather [hbm4b:s2+s24], $0x80, s12, s24, $0xb8;
	[tilespmem:$0x14000] =	vst v63  }
0xa0: {  	s12 =	smov.u32 s10  }
0xa1: {  	p0 =	sne.s32 s10, $0xD000;
	s10 =	sadd.s32 $0x1000, s10;
	_ =	swait.ge [sflag:s30], $0x4000  }
0xa2: {  	[sflag:s30] =	ssyncset.done $0x0  }
0xa3: {  	[sflag:s30] =	ssyncadd.s32 $0xFFFFC000  }
0xa4: {  	[hbm4b:s11+s3] =	stream.linear.scatter [tilespmem:s25], [sflag:$0x5], $0x4000, $0x38;
	[tilespmem:$0x14000] =	vst v63  }
0xa5: {  	_ =	swait.ge [sflag:s8], $0x4000  }
0xa6: {  	s12 =	sshra.s32 s12, $0x2;
	[sflag:s8] =	ssyncset.done $0x0  }
0xa7: {  	s13 =	sadd.s32 $0x580, s12;
	[sflag:s8] =	ssyncadd.s32 $0xFFFFC000  }
0xa8: {  	[tilespmem:s0], [sflag:$0x4] =	stream.indirect.gather [hbm4b:s2+s24], $0x80, s13, s24, $0xb8;
	[tilespmem:$0x14000] =	vst v63  }
0xa9: {  	_ =	swait.ge [sflag:s1], $0x4000  }
0xaa: {  	[sflag:s1] =	ssyncset.done $0x0  }
0xab: {  	s13 =	sadd.s32 $0x800, s11;
	[sflag:s1] =	ssyncadd.s32 $0xFFFFC000  }
0xac: {  	[hbm4b:s13+s3] =	stream.linear.scatter [tilespmem:s26], [sflag:$0x6], $0x4000, $0x38;
	[tilespmem:$0x14000] =	vst v63  }
0xad: {  	_ =	swait.ge [sflag:s28], $0x4000  }
0xae: {  	[sflag:s28] =	ssyncset.done $0x0  }
0xaf: {  	s13 =	sadd.s32 $0x600, s12;
	[sflag:s28] =	ssyncadd.s32 $0xFFFFC000  }
0xb0: {  	[tilespmem:s25], [sflag:$0x1] =	stream.indirect.gather [hbm4b:s2+s24], $0x80, s13, s24, $0xb8;
	[tilespmem:$0x14000] =	vst v63  }
0xb1: {  	_ =	swait.ge [sflag:s31], $0x4000  }
0xb2: {  	[sflag:s31] =	ssyncset.done $0x0  }
0xb3: {  	s13 =	sadd.s32 $0x1000, s11;
	[sflag:s31] =	ssyncadd.s32 $0xFFFFC000  }
0xb4: {  	[hbm4b:s13+s3] =	stream.linear.scatter [tilespmem:s29], [sflag:$0x7], $0x4000, $0x38;
	[tilespmem:$0x14000] =	vst v63  }
0xb5: {  	_ =	swait.ge [sflag:s5], $0x4000  }
0xb6: {  	[sflag:s5] =	ssyncset.done $0x0  }
0xb7: {  	s13 =	sadd.s32 $0x680, s12;
	[sflag:s5] =	ssyncadd.s32 $0xFFFFC000  }
0xb8: {  	[tilespmem:s26], [sflag:$0x2] =	stream.indirect.gather [hbm4b:s2+s24], $0x80, s13, s24, $0xb8;
	[tilespmem:$0x14000] =	vst v63  }
0xb9: {  	_ =	swait.ge [sflag:s6], $0x4000  }
0xba: {  	[sflag:s6] =	ssyncset.done $0x0  }
0xbb: {  	s13 =	sadd.s32 $0x1800, s11;
	[sflag:s6] =	ssyncadd.s32 $0xFFFFC000  }
0xbc: {  	[hbm4b:s13+s3] =	stream.linear.scatter [tilespmem:s0], [sflag:$0x8], $0x4000, $0x38;
	[tilespmem:$0x14000] =	vst v63  }
0xbd: {  	_ =	swait.ge [sflag:s7], $0x4000  }
0xbe: {  	[sflag:s7] =	ssyncset.done $0x0  }
0xbf: {  	s13 =	sadd.s32 $0x700, s12;
	[sflag:s7] =	ssyncadd.s32 $0xFFFFC000  }
0xc0: {  	[tilespmem:s29], [sflag:$0x3] =	stream.indirect.gather [hbm4b:s2+s24], $0x80, s13, s24, $0xb8;
	[tilespmem:$0x14000] =	vst v63  }
0xc1: {  	_ =	swait.ge [sflag:s30], $0x4000  }
0xc2: {  	[sflag:s30] =	ssyncset.done $0x0  }
0xc3: {  	s13 =	sadd.s32 $0x2000, s11;
	[sflag:s30] =	ssyncadd.s32 $0xFFFFC000  }
0xc4: {  	[hbm4b:s13+s3] =	stream.linear.scatter [tilespmem:s25], [sflag:$0x5], $0x4000, $0x38;
	[tilespmem:$0x14000] =	vst v63  }
0xc5: {  	_ =	swait.ge [sflag:s8], $0x4000  }
0xc6: {  	[sflag:s8] =	ssyncset.done $0x0  }
0xc7: {  	s13 =	sadd.s32 $0x780, s12;
	[sflag:s8] =	ssyncadd.s32 $0xFFFFC000  }
0xc8: {  	[tilespmem:s0], [sflag:$0x4] =	stream.indirect.gather [hbm4b:s2+s24], $0x80, s13, s24, $0xb8;
	[tilespmem:$0x14000] =	vst v63  }
0xc9: {  	_ =	swait.ge [sflag:s1], $0x4000  }
0xca: {  	[sflag:s1] =	ssyncset.done $0x0  }
0xcb: {  	s13 =	sadd.s32 $0x2800, s11;
	[sflag:s1] =	ssyncadd.s32 $0xFFFFC000  }
0xcc: {  	[hbm4b:s13+s3] =	stream.linear.scatter [tilespmem:s26], [sflag:$0x6], $0x4000, $0x38;
	[tilespmem:$0x14000] =	vst v63  }
0xcd: {  	_ =	swait.ge [sflag:s28], $0x4000  }
0xce: {  	[sflag:s28] =	ssyncset.done $0x0  }
0xcf: {  	s13 =	sadd.s32 $0x800, s12;
	[sflag:s28] =	ssyncadd.s32 $0xFFFFC000  }
0xd0: {  	[tilespmem:s25], [sflag:$0x1] =	stream.indirect.gather [hbm4b:s2+s24], $0x80, s13, s24, $0xb8;
	[tilespmem:$0x14000] =	vst v63  }
0xd1: {  	_ =	swait.ge [sflag:s31], $0x4000  }
0xd2: {  	[sflag:s31] =	ssyncset.done $0x0  }
0xd3: {  	s13 =	sadd.s32 $0x3000, s11;
	[sflag:s31] =	ssyncadd.s32 $0xFFFFC000  }
0xd4: {  	[hbm4b:s13+s3] =	stream.linear.scatter [tilespmem:s29], [sflag:$0x7], $0x4000, $0x38;
	[tilespmem:$0x14000] =	vst v63  }
0xd5: {  	_ =	swait.ge [sflag:s5], $0x4000  }
0xd6: {  	[sflag:s5] =	ssyncset.done $0x0  }
0xd7: {  	s13 =	sadd.s32 $0x880, s12;
	[sflag:s5] =	ssyncadd.s32 $0xFFFFC000  }
0xd8: {  	[tilespmem:s26], [sflag:$0x2] =	stream.indirect.gather [hbm4b:s2+s24], $0x80, s13, s24, $0xb8;
	[tilespmem:$0x14000] =	vst v63  }
0xd9: {  	_ =	swait.ge [sflag:s6], $0x4000  }
0xda: {  	[sflag:s6] =	ssyncset.done $0x0  }
.Ltmp0:
0xdb: {  	s13 =	sadd.s32 $0x3800, s11;
	[sflag:s6] =	ssyncadd.s32 $0xFFFFC000;
	(pc) =	sbr.rel @p0 .LBB2_2-.Ltmp0, $4  }
0xdc: {  	[hbm4b:s13+s3] =	stream.linear.scatter [tilespmem:s0], [sflag:$0x8], $0x4000, $0x38;
	[tilespmem:$0x14000] =	vst v63  }
0xdd: {  	_ =	swait.ge [sflag:s7], $0x4000  }
0xde: {  	[sflag:s7] =	ssyncset.done $0x0  }
0xdf: {  	s12 =	sadd.s32 $0x900, s12;
	s11 =	sadd.s32 $0x4000, s11;
	[sflag:s7] =	ssyncadd.s32 $0xFFFFC000  }
0xe0: {  	[tilespmem:s29], [sflag:$0x3] =	stream.indirect.gather [hbm4b:s2+s24], $0x80, s12, s24, $0xb8;
	[tilespmem:$0x14000] =	vst v63  }
0xe1: {  	_ =	swait.ge [sflag:s30], $0x4000  }
0xe2: {  	[sflag:s30] =	ssyncset.done $0x0  }
0xe3: {  	s10 =	rddreg [dreg:$0xb];
	[sflag:s30] =	ssyncadd.s32 $0xFFFFC000  }
0xe4: {  	[hbm4b:s10+s3] =	stream.linear.scatter [tilespmem:s25], [sflag:$0x5], $0x4000, $0x38;
	[tilespmem:$0x14000] =	vst v63  }
0xe5: {  	_ =	swait.ge [sflag:s8], $0x4000  }
0xe6: {  	[sflag:s8] =	ssyncset.done $0x0  }
0xe7: {  	s12 =	simm.s32 $0x3D80;
	[sflag:s8] =	ssyncadd.s32 $0xFFFFC000  }
0xe8: {  	[tilespmem:s0], [sflag:$0x4] =	stream.indirect.gather [hbm4b:s2+s24], $0x80, s12, s24, $0xb8;
	[tilespmem:$0x14000] =	vst v63  }
0xe9: {  	_ =	swait.ge [sflag:s1], $0x4000  }
0xea: {  	[sflag:s1] =	ssyncset.done $0x0  }
0xeb: {  	[sflag:s1] =	ssyncadd.s32 $0xFFFFC000  }
0xec: {  	[hbm4b:s14+s3] =	stream.linear.scatter [tilespmem:s26], [sflag:$0x6], $0x4000, $0x38;
	[tilespmem:$0x14000] =	vst v63  }
0xed: {  	_ =	swait.ge [sflag:s28], $0x4000  }
0xee: {  	[sflag:s28] =	ssyncset.done $0x0  }
0xef: {  	s13 =	simm.s32 $0x3E00;
	[sflag:s28] =	ssyncadd.s32 $0xFFFFC000  }
0xf0: {  	[tilespmem:s25], [sflag:$0x1] =	stream.indirect.gather [hbm4b:s2+s24], $0x80, s13, s24, $0xb8;
	[tilespmem:$0x14000] =	vst v63  }
0xf1: {  	_ =	swait.ge [sflag:s31], $0x4000  }
0xf2: {  	[sflag:s31] =	ssyncset.done $0x0  }
0xf3: {  	[sflag:s31] =	ssyncadd.s32 $0xFFFFC000  }
0xf4: {  	[hbm4b:s15+s3] =	stream.linear.scatter [tilespmem:s29], [sflag:$0x7], $0x4000, $0x38;
	[tilespmem:$0x14000] =	vst v63  }
0xf5: {  	_ =	swait.ge [sflag:s5], $0x4000  }
0xf6: {  	[sflag:s5] =	ssyncset.done $0x0  }
0xf7: {  	s11 =	simm.s32 $0x3E80;
	[sflag:s5] =	ssyncadd.s32 $0xFFFFC000  }
0xf8: {  	[tilespmem:s26], [sflag:$0x2] =	stream.indirect.gather [hbm4b:s2+s24], $0x80, s11, s24, $0xb8;
	[tilespmem:$0x14000] =	vst v63  }
0xf9: {  	_ =	swait.ge [sflag:s6], $0x4000  }
0xfa: {  	[sflag:s6] =	ssyncset.done $0x0  }
0xfb: {  	[sflag:s6] =	ssyncadd.s32 $0xFFFFC000  }
0xfc: {  	[hbm4b:s16+s3] =	stream.linear.scatter [tilespmem:s0], [sflag:$0x8], $0x4000, $0x38;
	[tilespmem:$0x14000] =	vst v63  }
0xfd: {  	_ =	swait.ge [sflag:s7], $0x4000  }
0xfe: {  	[sflag:s7] =	ssyncset.done $0x0  }
0xff: {  	s12 =	simm.s32 $0x3F00;
	[sflag:s7] =	ssyncadd.s32 $0xFFFFC000  }
0x100: {  	[tilespmem:s29], [sflag:$0x3] =	stream.indirect.gather [hbm4b:s2+s24], $0x80, s12, s24, $0xb8;
	[tilespmem:$0x14000] =	vst v63  }
0x101: {  	_ =	swait.ge [sflag:s30], $0x4000  }
0x102: {  	[sflag:s30] =	ssyncset.done $0x0  }
0x103: {  	[sflag:s30] =	ssyncadd.s32 $0xFFFFC000  }
0x104: {  	[hbm4b:s17+s3] =	stream.linear.scatter [tilespmem:s25], [sflag:$0x5], $0x4000, $0x38;
	[tilespmem:$0x14000] =	vst v63  }
0x105: {  	_ =	swait.ge [sflag:s8], $0x4000  }
0x106: {  	[sflag:s8] =	ssyncset.done $0x0  }
0x107: {  	s13 =	simm.s32 $0x3F80;
	[sflag:s8] =	ssyncadd.s32 $0xFFFFC000  }
0x108: {  	[tilespmem:s0], [sflag:$0x4] =	stream.indirect.gather [hbm4b:s2+s24], $0x80, s13, s24, $0xb8;
	[tilespmem:$0x14000] =	vst v63  }
0x109: {  	_ =	swait.ge [sflag:s1], $0x4000  }
0x10a: {  	[sflag:s1] =	ssyncset.done $0x0  }
0x10b: {  	[sflag:s1] =	ssyncadd.s32 $0xFFFFC000  }
0x10c: {  	[hbm4b:s18+s3] =	stream.linear.scatter [tilespmem:s26], [sflag:$0x6], $0x4000, $0x38;
	[tilespmem:$0x14000] =	vst v63  }
0x10d: {  	_ =	swait.ge [sflag:s31], $0x4000  }
0x10e: {  	[sflag:s31] =	ssyncset.done $0x0  }
0x10f: {  	[sflag:s31] =	ssyncadd.s32 $0xFFFFC000  }
0x110: {  	[hbm4b:s19+s3] =	stream.linear.scatter [tilespmem:s29], [sflag:$0x7], $0x4000, $0x38;
	[tilespmem:$0x14000] =	vst v63  }
0x111: {  	_ =	swait.ge [sflag:s6], $0x4000  }
0x112: {  	[sflag:s6] =	ssyncset.done $0x0  }
0x113: {  	[sflag:s6] =	ssyncadd.s32 $0xFFFFC000  }
0x114: {  	[hbm4b:s20+s3] =	stream.linear.scatter [tilespmem:s0], [sflag:$0x8], $0x4000, $0x38;
	[tilespmem:$0x14000] =	vst v63  }
0x115: {  	_ =	swait.ge [sflag:s28], $0x4000  }
0x116: {  	[sflag:s28] =	ssyncset.done $0x0  }
0x117: {  	[sflag:s28] =	ssyncadd.s32 $0xFFFFC000  }
0x118: {  	_ =	swait.ge [sflag:s5], $0x4000  }
0x119: {  	[sflag:s5] =	ssyncset.done $0x0  }
0x11a: {  	s9 =	sadd.s32 $0x1, s9;
	[sflag:s5] =	ssyncadd.s32 $0xFFFFC000  }
0x11b: {  	p0 =	sne.s32 s9, s21;
	_ =	swait.ge [sflag:s7], $0x4000  }
.Ltmp1:
0x11c: {  	[sflag:s7] =	ssyncset.done $0x0;
	(pc) =	sbr.rel @p0 .LBB2_1-.Ltmp1, $4  }
0x11d: {  	[sflag:s7] =	ssyncadd.s32 $0xFFFFC000  }
0x11e: {  	_ =	swait.ge [sflag:s8], $0x4000  }
0x11f: {  	[sflag:s8] =	ssyncset.done $0x0  }
0x120: {  	[sflag:s8] =	ssyncadd.s32 $0xFFFFC000  }
0x121: {  	_ =	sfence.sel $0x180000  }
0x122: {  	[bflag:$0x0] =	sbarrier.arrive $0xFFFF  }
0x123: {  	_ =	strace $0x90000047  }
0x124: {  	s0 =	stileid.u32;
	[bflag:$0x2] =	sbarrier.arrive $0xFFFF  }
0x125: {  	p0 =	sne.s32 s0, $0x0;
	s0 =	rddreg [dreg:$0x2]  }
0x126: {  	s0 =	sadd.s32 @!p0 $0x100000, s0  }
0x127: {  	[sflag:s0] =	ssyncadd.tile.s32 @!p0 $0x1;
	_ =	shalt  }
.Lfunc_end2:
_tile_overlayer_lowered:
.L_overlay_start_2:
0x128: {  	(tag) =	ssettag $0x2  }
0x129: {  	s0 =	rddreg [dreg:$0x0];
	s2 =	stileid.u32  }
0x12a: {  	s1 =	rddreg [dreg:$0x1];
	p0 =	sne.s32 s2, $0x0  }
0x12b: {  	s3 =	rddreg [dreg:$0x2];
	[bflag:$0x3] =	sbarrier.arrive $0xFFFF;
	s2 =	simm.s32 @!p0 $0x1C09  }
0x12c: {  	[timem:s3], [sflag:s2] =	dma.local @!p0 [hbm:s0], s1  }
0x12d: {  	s0 =	simm.s32 @!p0 $0x9  }
0x12e: {  	_ =	swait.ge @!p0 [sflag:s0], s1  }
0x12f: {  	s1 =	ssub.s32 @!p0 $0x0, s1;
	[sflag:s0] =	ssyncset.done @!p0 $0x0  }
0x130: {  	[sflag:s0] =	ssyncadd.s32 @!p0 s1  }
0x131: {  	[bflag:$0x3] =	sbarrier.arrive $0xFFFF  }
0x132: {  	_ =	shalt  }

// kernel: sparse-core-data-format-call.cloned.1.call-start
scs
called_computation_lowered:
.L_overlay_start_0:
0x0: {  	s2 =	sld [smem:$0x3FD9]  }
0x1: {  	s3 =	sld [smem:$0x3FFE];
	_ =	sdelay $0x1  }
0x2: {  	s1 =	srdreg.scid  }
0x3: {  	s0 =	sand.u32 $0x1, s1  }
0x4: {  	s18 =	sshll.u32 s0, $0xA;
	s2 =	sadd.s32 s3, s2  }
0x5: {  	s2 =	sadd.s32 s2, s18  }
0x6: {  	[smem:$0x3FC0] =	sst s2  }
0x7: {  	_ = 	snop  }
0x8: {  	s2 =	sld [smem:$0x3FD0];
	(tm) =	ssettm $0x1  }
0x9: {  	s19 =	sld [smem:$0x3FFB];
	_ =	sdelay $0x3  }
0xa: {  	_ =	strace s19  }
0xb: {  	s3 =	sld [smem:$0x3FFC];
	_ =	sdelay $0x3  }
0xc: {  	_ =	strace s3  }
0xd: {  	s3 =	sld [smem:$0x3FFD];
	_ =	sdelay $0x3  }
0xe: {  	_ =	strace s3  }
0xf: {  	_ =	strace $0x8FFFFFFF  }
0x10: {  	s20 =	sld [smem:$0x3FDB];
	_ =	sdelay $0x1  }
0x11: {  	s4 =	simm.s32 $_scs_section_size  }
0x12: {  	s5 =	simm.s32 $_size__tile_overlayer_lowered;
	s6 =	simm.s32 $_tile_overlayer_lowered  }
0x13: {  	s23 =	simm.s32 $0x1BFF;
	s22 =	sshll.u32 s6, $0x1;
	s3 =	sadd.s32 s4, s20  }
0x14: {  	s7 =	simm.s32 $0x0;
	s21 =	sshll.u32 s5, $0x1;
	s5 =	sadd.s32 s22, s3  }
0x15: {  	[timem:s7], [sflag:s23] =	dma.local [hbm:s5], s21  }
0x16: {  	_ =	swait.ge [sflag:s23], s21  }
0x17: {  	s4 =	ssub.s32 $0x0, s21;
	[sflag:s23] =	ssyncset.done $0x0  }
0x18: {  	[sflag:s23] =	ssyncadd.s32 s4;
	_ =	sdelay $0x1  }
0x19: {  	s24 =	simm.s32 $0x1B8B  }
0x1a: {  	_ =	swait.ge [sflag:s24], $0x1  }
0x1b: {  	[sflag:s24] =	ssyncset.done $0x0  }
0x1c: {  	s26 =	simm.s32 $0x1B8E;
	s25 =	sld [smem:$0x3FFE];
	[sflag:s24] =	ssyncadd.s32 $0xFFFFFFFF  }
0x1d: {  	s27 =	simm.s32 $execute0_lowered;
	[smem:$0x3FD2] =	sst s26  }
0x1e: {  	s5 =	sshll.u32 s27, $0x1;
	_ =	strace $0x80000049;
	[dreg:$0x1] =	wrdreg $0xFFFFFFFF  }
0x1f: {  	s28 =	simm.s32 $_size_execute0_lowered;
	s3 =	sadd.s32 s3, s5;
	[dreg:$0x0] =	wrdreg $0x0  }
0x20: {  	s5 =	sshll.u32 s28, $0x1;
	[dreg:$0x2] =	wrdreg s3  }
0x21: {  	[dreg:$0x3] =	wrdreg s5  }
0x22: {  	[dreg:$0x4] =	wrdreg $0xC0  }
0x23: {  	_ =	task [dreg:s7], $0x5FFFF  }
0x24: {  	[dreg:$0x1] =	wrdreg $0xFFFFFFFF  }
0x25: {  	[dreg:$0x0] =	wrdreg $0x60  }
0x26: {  	[dreg:$0x2] =	wrdreg s25  }
0x27: {  	[dreg:$0x3] =	wrdreg s2  }
0x28: {  	[dreg:$0x4] =	wrdreg $0x9  }
0x29: {  	_ =	task.clear_ibuf [dreg:s7], $0x5FFFF;
	_ =	strace $0x90000049  }
0x2a: {  	s29 =	simm.s32 $0x9;
	_ =	strace $0x8000004B  }
0x2b: {  	_ =	swait.ge [sflag:s29], $0x1  }
0x2c: {  	[sflag:s29] =	ssyncadd.s32 $0xFFFFFFFF  }
0x2d: {  	_ =	strace $0x9000004B  }
0x2e: {  	_ =	sfence  }
0x2f: {  	s30 =	sld [smem:$0x0];
	_ =	sdelay $0x2  }
0x30: {  	s31 =	sshll.u32 s1, $0xD;
	s1 =	sshrl.u32 s1, $0x2  }
0x31: {  	s3 =	sand.u32 $0x4000, s31;
	s1 =	sadd.s32 s1, s30  }
0x32: {  	s0 =	sor.u32 s3, s0;
	s1 =	sshll.u32 s1, $0x11  }
0x33: {  	s0 =	sor.u32 s1, s0  }
0x34: {  	s0 =	sadd.s32 $0x8F2B, s0  }
0x35: {  	[sflag:s0] =	ssyncadd.remote.s32 $0x1  }
0x36: {  	_ =	sfence.sel $0xFFFF  }
0x37: {  	[dreg:$0x0] =	wrdreg $0xFFFFFFFF;
	(pc) =	sbr.abs _section_cstart, $3  }
0x38: {  	[dreg:$0x1] =	wrdreg $0xFFFFFFFF  }
0x39: {  	_ =	task.clear_ibuf [dreg:s7], $0x2FFFF;
	_ =	strace $0x9FFFFFFF  }
0x3a: {  	(tm) =	ssettm $0x7FFFFFFF  }
0x3b: {  	_ =	shalt  }
tec
execute0_lowered:
.L_overlay_start_1:
0x0: {  	(tag) =	ssettag $0x1  }
0x1: {  	s0 =	srdreg.scid  }
0x2: {  	s1 =	sshll.u32 s0, $0x4  }
0x3: {  	s0 =	stileid.u32;
	s1 =	sand.u32 $0x10, s1  }
0x4: {  	s1 =	sor.u32 s0, s1  }
0x5: {  	s6 =	rddreg [dreg:$0x0];
	s4 =	simm.s32 $0x1;
	s2 =	sshll.u32 s1, $0x7  }
0x6: {  	s7 =	simm.s32 $0x2;
	s12 =	simm.s32 $0x0;
	s1 =	ssub.s32 $0x1000, s2  }
0x7: {  	s8 =	simm.s32 $0x8000;
	s13 =	simm.s32 $0x0;
	s3 =	sand.u32 $0xF80, s1  }
0x8: {  	s9 =	simm.s32 $0x0;
	s5 =	sshrl.u32 s1, $0xC;
	p0 =	sne.s32 s3, $0x0  }
.Ltmp0:
0x9: {  	s1 =	rddreg [dreg:$0x2];
	s4 =	simm.s32 @!p0 $0x0;
	(pc) =	sbr.rel .LBB1_1-.Ltmp0, $4  }
0xa: {  	s11 =	simm.s32 $0x0;
	s3 =	rddreg [dreg:$0x1];
	s5 =	sadd.s32 s4, s5  }
0xb: {  	_ =	strace $0x8000004A;
	s4 =	simm.s32 $0x1;
	s5 =	smul.u32 $0x7F, s5  }
0xc: {  	s6 =	sadd.s32 $0x11C00, s6;
	s10 =	smov.u32 s2;
	[sflag:s4] =	ssyncpa.u1 $0x0  }
0xd: {  	p0 =	por $0x0, $0x0;
	[sflag:s7] =	ssyncpa.u1 $0x0;
	s7 =	sadd.s32 $0x1, s5  }
.LBB1_4:
0xe: {  	s16 =	sshll.u32 s13, $0x3;
	s17 =	sand.u32 $0x78, s13  }
0xf: {  	s30 =	sand.u32 $0x7E00, s13;
	s12 =	sshll.u32 s12, $0xF;
	s16 =	sand.u32 $0xC00, s16  }
0x10: {  	[tilespmem:s15+$0x810 ss:$0x81] =	vst.msk $0xffff, v2;
	s31 =	sand.u32 $0x7, s13;
	s16 =	sor.u32 s17, s16;
	s17 =	sadd.s32 s3, s30  }
0x11: {  	[tilespmem:s15+$0x1020 ss:$0x81] =	vst.msk $0xffff, v0;
	s13 =	sshll.u32 s31, $0x12;
	s12 =	sadd.s32 s12, s17;
	s16 =	sshrl.u32 s16, $0x3  }
0x12: {  	[tilespmem:s15+$0x0 ss:$0x81] =	vst.msk $0xffff, v1;
	s13 =	sor.u32 $0x400, s13;
	s12 =	sadd.s32 s16, s12  }
0x13: {  	[hbm4b:s12+s13] =	stream.strided.scatter [tilespmem:s14], [sflag:$0x2], $0x2000, s8, s13, $0x20;
	[tilespmem:$0x8080] =	vst v63  }
.LBB1_5:
0x14: {  	s14 =	sadd.s32 $0x1, s9  }
0x15: {  	s12 =	sadd.s32 $0x1000, s10;
	s16 =	smov.u32 s10;
	p2 =	sgt.s32 s14, $0x7E  }
0x16: {  	s16 =	smov.u32 @p2 s12  }
0x17: {  	s14 =	simm.s32 @p2 $0x0;
	p2 =	sgt.s32 s16, $0xFFF  }
0x18: {  	s16 =	smov.u32 @p2 s2;
	p2 =	sne.s32 s11, s7  }
.Ltmp1:
0x19: {  	p1 =	slt.u32 s11, $0x2;
	(pc) =	sbr.rel @!p2 .LBB1_6-.Ltmp1, $4  }
0x1a: {  	s15 =	simm.s32 @!p1 $0x2  }
0x1b: {  	s13 =	smov.u32 s10;
	p0 =	por !p0, !p0;
	_ =	swait.ge @!p1 [sflag:s15], $0x2000  }
0x1c: {  	s12 =	smov.u32 s9;
	[sflag:s15] =	ssyncset.done @!p1 $0x0;
	s9 =	smov.u32 s14  }
0x1d: {  	s11 =	sadd.s32 $0x1, s11;
	[sflag:s15] =	ssyncadd.s32 @!p1 $0xFFFFE000;
	s10 =	smov.u32 s16  }
.LBB1_1:
0x1e: {  	p1 =	sge.u32 s11, s5  }
0x1f: {  	s31 =	sadd.s32 $0xFFFFFFFF, s11;
	s14 =	sxor.u32 @!p1 $0xFFFFFFFF, s11  }
0x20: {  	s15 =	sshll.u32 @!p1 s10, $0xB;
	s16 =	sshll.u32 @!p1 s9, $0x4;
	s17 =	simm.s32 @!p1 $0x4000  }
0x21: {  	s14 =	sshll.u32 @!p1 s14, $0xD;
	s16 =	sand.u32 @!p1 $0x7F0, s16;
	s15 =	sadd.s32 @!p1 s6, s15  }
0x22: {  	s14 =	sand.u32 @!p1 $0x2000, s14;
	s15 =	sadd.s32 @!p1 s16, s15;
	s16 =	simm.s32 @!p1 $0x40  }
0x23: {  	[tilespmem:s14], [sflag:$0x1] =	stream.strided.gather @!p1 [hbm4b:s15+s16], $0x2000, s17, s16, $0x38;
	[tilespmem:$0x8080] =	vst v63  }
0x24: {  	p1 =	sge.u32 s31, s5  }
.Ltmp2:
0x25: {  	_ = 	snop;
	(pc) =	sbr.rel @p1 .LBB1_5-.Ltmp2, $1  }
0x26: {  	_ =	sdelay $0x3  }
0x27: {  	s14 =	simm.s32 $0x1  }
0x28: {  	_ =	swait.ge [sflag:s4], $0x2000;
	s14 =	simm.s32 @!p0 $0x0  }
0x29: {  	[sflag:s4] =	ssyncset.done $0x0;
	s15 =	sshll.u32 s14, $0xD  }
0x2a: {  	[sflag:s4] =	ssyncadd.s32 $0xFFFFE000;
	s18 =	sor.u32 $0x20, s15  }
0x2b: {  	s14 =	smul.u32 $0x8100, s14;
	v3 =	vld [tilespmem:s18+$0x10]  }
0x2c: {  	s30 =	sand.u32 $0x1, s11;
	v2 =	vld [tilespmem:s18+$0xFFFFFFF0]  }
0x2d: {  	s15 =	smul.u32 $0x8100, s30;
	s14 =	sshrl.u32 s14, $0x2;
	v0 =	vld [tilespmem:s18+$0x0]  }
0x2e: {  	v1 =	vld [tilespmem:s18+$0xFFFFFFE0];
	s16 =	sor.u32 $0x4000, s14  }
0x2f: {  	s31 =	sshrl.u32 s15, $0x2;
	s15 =	sadd.s32 $0x0, s16  }
0x30: {  	s17 =	simm.s32 $0x4;
	s18 =	sadd.s32 $0x40, s18;
	s14 =	sor.u32 $0x4000, s31;
	[tilespmem:s15+$0x1830 ss:$0x81] =	vst.msk $0xffff, v3  }
.LBB1_3:
0x31: {  	v3 =	vld [tilespmem:s18+$0x10];
	p1 =	sne.s32 s17, $0x1FC;
	[tilespmem:s15+$0x810 ss:$0x81] =	vst.msk $0xffff, v2;
	s19 =	smov.u32 s17;
	s17 =	sadd.s32 $0x4, s17  }
.Ltmp3:
0x32: {  	v2 =	vld [tilespmem:s18+$0xFFFFFFF0];
	[tilespmem:s15+$0x1020 ss:$0x81] =	vst.msk $0xffff, v0;
	(pc) =	sbr.rel @p1 .LBB1_3-.Ltmp3, $4  }
0x33: {  	v0 =	vld [tilespmem:s18+$0x0];
	[tilespmem:s15+$0x0 ss:$0x81] =	vst.msk $0xffff, v1  }
0x34: {  	s15 =	sshra.s32 s19, $0x2;
	v1 =	vld [tilespmem:s18+$0xFFFFFFE0]  }
0x35: {  	s15 =	sadd.s32 s15, s16  }
0x36: {  	s18 =	sadd.s32 $0x40, s18;
	[tilespmem:s15+$0x1830 ss:$0x81] =	vst.msk $0xffff, v3  }
.Ltmp4:
0x37: {  	_ = 	snop;
	(pc) =	sbr.rel .LBB1_4-.Ltmp4, $1  }
0x38: {  	_ =	sdelay $0x3  }
.LBB1_6:
0x39: {  	_ =	sfence.sel $0x180000  }
0x3a: {  	s2 =	simm.s32 $0x1;
	[bflag:$0x0] =	sbarrier.arrive $0xFFFF  }
0x3b: {  	s31 =	simm.s32 $0x2;
	[sflag:s2] =	ssyncpa.u1 $0x1  }
0x3c: {  	[sflag:s31] =	ssyncpa.u1 $0x1  }
0x3d: {  	p0 =	sne.s32 s0, $0x0;
	_ =	strace $0x9000004A  }
0x3e: {  	s0 =	sadd.s32 @!p0 $0x100000, s1;
	[bflag:$0x2] =	sbarrier.arrive $0xFFFF  }
0x3f: {  	[sflag:s0] =	ssyncadd.tile.s32 @!p0 $0x1;
	_ =	shalt  }
.Lfunc_end1:
_tile_overlayer_lowered:
.L_overlay_start_2:
0x40: {  	(tag) =	ssettag $0x2  }
0x41: {  	s0 =	rddreg [dreg:$0x0];
	s2 =	stileid.u32  }
0x42: {  	s1 =	rddreg [dreg:$0x1];
	p0 =	sne.s32 s2, $0x0  }
0x43: {  	s3 =	rddreg [dreg:$0x2];
	[bflag:$0x3] =	sbarrier.arrive $0xFFFF;
	s2 =	simm.s32 @!p0 $0x1C01  }
0x44: {  	[timem:s3], [sflag:s2] =	dma.local @!p0 [hbm:s0], s1  }
0x45: {  	s0 =	simm.s32 @!p0 $0x1  }
0x46: {  	_ =	swait.ge @!p0 [sflag:s0], s1  }
0x47: {  	s1 =	ssub.s32 @!p0 $0x0, s1;
	[sflag:s0] =	ssyncset.done @!p0 $0x0  }
0x48: {  	[sflag:s0] =	ssyncadd.s32 @!p0 s1  }
0x49: {  	[bflag:$0x3] =	sbarrier.arrive $0xFFFF  }
0x4a: {  	_ =	shalt  }

</sc_bundles>
